<compile_context>
chip_gen: v7x
topology: tpu7x:2x2x1
jax: 0.10.2.dev20260603
libtpu: 0.0.44.dev20260713+nightly
codegen_flags: <defaults>
</compile_context>

<pallas_src>
import functools

import jax
import jax.numpy as jnp
from jax import lax
from jax.experimental import pallas as pl
from jax.experimental.pallas import tpu as pltpu
from jax.experimental.pallas import tpu_sc as plsc

N = 100000
D = 128
G = 512
C = 10
NC, NS = 2, 16
NW = NC * NS
CHUNK = 128

CPW = 9
SC_CHUNKS = NW * CPW
TC_ROWS = N - 32 - SC_CHUNKS * CHUNK
SC_BASE = TC_ROWS
TAIL = 32
TAIL_BASE = N - TAIL
NPAIR = (CPW - 1) // 2
G_PER_TILE = G // NS

BR = 3712
NB = TC_ROWS // BR
W = 32

_mesh = plsc.VectorSubcoreMesh(core_axis_name="c", subcore_axis_name="s",
                               num_cores=NC, num_subcores=NS)


@functools.partial(
    pl.kernel,
    out_type=jax.ShapeDtypeStruct((NC * G, D), jnp.float32),
    mesh=_mesh,
    scratch_types=[
        pltpu.VMEM((CHUNK,), jnp.int32),
        pltpu.VMEM((CHUNK,), jnp.int32),
        pltpu.VMEM((CHUNK, D), jnp.float32),
        pltpu.VMEM((CHUNK, D), jnp.float32),
        pltpu.VMEM((TAIL,), jnp.int32),
        pltpu.VMEM((TAIL, D), jnp.float32),
        pltpu.VMEM_SHARED((G, D), jnp.float32),
        pltpu.SemaphoreType.DMA,
        pltpu.SemaphoreType.DMA,
    ],
)
def _sc_pool(x_hbm, b_hbm, out_hbm, idx0, idx1, rows0, rows1,
             idxt, rowst, acc_sh, sem0, sem1):
    cid = lax.axis_index("c")
    sid = lax.axis_index("s")
    wid = cid * NS + sid

    idxs = (idx0, idx1)
    bufs = (rows0, rows1)
    sems = (sem0, sem1)

    def issue(ci, b):
        base = SC_BASE + ci * CHUNK
        pltpu.async_copy(b_hbm.at[pl.ds(base, CHUNK)], idxs[b], sems[b])
        pltpu.async_copy(x_hbm.at[pl.ds(base, CHUNK)], bufs[b], sems[b])

    def wait(ci, b):
        base = SC_BASE + ci * CHUNK
        pltpu.make_async_copy(b_hbm.at[pl.ds(base, CHUNK)], idxs[b],
                              sems[b]).wait()
        pltpu.make_async_copy(x_hbm.at[pl.ds(base, CHUNK)], bufs[b],
                              sems[b]).wait()

    @pl.loop(0, G_PER_TILE)
    def _(r):
        @pl.loop(0, D // 16)
        def _(c):
            rows0[r, pl.ds(c * 16, 16)] = jnp.zeros((16,), jnp.float32)

    pltpu.sync_copy(rows0.at[pl.ds(0, G_PER_TILE)],
                    acc_sh.at[pl.ds(sid * G_PER_TILE, G_PER_TILE)])
    plsc.subcore_barrier()

    issue(wid, 0)
    issue(wid + NW, 1)

    @pl.loop(0, NPAIR)
    def _(p):
        for b in range(2):
            j = 2 * p + b
            ci = wid + j * NW
            wait(ci, b)
            pltpu.sync_copy(bufs[b], acc_sh.at[idxs[b]], add=True)
            if b == 0:
                issue(ci + 2 * NW, b)
            else:
                @pl.when(j + 2 < CPW)
                def _():
                    issue(ci + 2 * NW, b)

    lci = wid + (CPW - 1) * NW
    wait(lci, 0)
    pltpu.sync_copy(rows0, acc_sh.at[idx0], add=True)

    @pl.when(wid == NW - 1)
    def _():
        pltpu.sync_copy(b_hbm.at[pl.ds(TAIL_BASE, TAIL)], idxt)
        pltpu.sync_copy(x_hbm.at[pl.ds(TAIL_BASE, TAIL)], rowst)
        pltpu.sync_copy(rowst, acc_sh.at[idxt], add=True)

    plsc.subcore_barrier()

    pltpu.sync_copy(acc_sh.at[pl.ds(sid * G_PER_TILE, G_PER_TILE)],
                    out_hbm.at[pl.ds(cid * G + sid * G_PER_TILE, G_PER_TILE)])


def _tc_pool_body(lo_ref, hi_ref, ids_ref, x_ref, o_ref, acc):
    i = pl.program_id(0)

    @pl.when(i == 0)
    def _():
        acc[...] = jnp.zeros_like(acc)

    ids = ids_ref[0, 0, :]
    base = lo_ref[i]
    hi = hi_ref[i]
    kcol = lax.broadcasted_iota(jnp.int32, (W, BR), 0)
    xb = x_ref[...]
    for w in range(G // W):
        wb = base + w * W

        @pl.when(wb <= hi)
        def _():
            oh = jnp.where(ids[None, :] == wb + kcol, 1.0, 0.0)
            acc[pl.ds(wb, W), :] += jnp.dot(oh, xb,
                                            preferred_element_type=jnp.float32)

    @pl.when(i == NB - 1)
    def _():
        o_ref[...] = acc[0:G, :]


_tc_pool = pl.pallas_call(
    _tc_pool_body,
    grid_spec=pltpu.PrefetchScalarGridSpec(
        num_scalar_prefetch=2,
        grid=(NB,),
        in_specs=[
            pl.BlockSpec((1, 1, BR), lambda i, lo, hi: (i, 0, 0)),
            pl.BlockSpec((BR, D), lambda i, lo, hi: (i, 0)),
        ],
        out_specs=pl.BlockSpec((G, D), lambda i, lo, hi: (0, 0)),
        scratch_shapes=[pltpu.VMEM((G + W, D), jnp.float32)],
    ),
    out_shape=jax.ShapeDtypeStruct((G, D), jnp.float32),
)


def _mlp_body(p_ref, q_ref, w1_ref, b1_ref, w2_ref, b2_ref, o_ref):
    pooled = p_ref[:G, :] + p_ref[G:, :] + q_ref[...]
    h = jnp.dot(pooled, w1_ref[...], preferred_element_type=jnp.float32)
    h = jnp.maximum(h + b1_ref[...], 0.0)
    o = jnp.dot(h, w2_ref[...], preferred_element_type=jnp.float32) + b2_ref[...]
    m = jnp.max(o, axis=-1, keepdims=True)
    lse = jnp.log(jnp.sum(jnp.exp(o - m), axis=-1, keepdims=True)) + m
    o_ref[...] = o - lse


_mlp = pl.pallas_call(
    _mlp_body,
    out_shape=jax.ShapeDtypeStruct((G, C), jnp.float32),
)


def kernel(x, batch, W1, b1, W2, b2):
    batch = batch.astype(jnp.int32)
    ids3d = batch[:TC_ROWS].reshape(NB, 1, BR)
    lo = batch[0:TC_ROWS:BR]
    hi = batch[BR - 1:TC_ROWS:BR]
    tc_partial = _tc_pool(lo, hi, ids3d, x)
    sc_partials = _sc_pool(x, batch)
    return _mlp(sc_partials, tc_partial, W1, b1[None, :], W2, b2[None, :])

# --- scband reference (transcript-rebuilt; emitter-appended) ---
"""Pipeline reference for scband-gca-classifier-23158463660327 (READ-ONLY COPY).

The authoritative reference and input builder live on the scoring server;
editing this copy changes nothing except your own understanding.
"""

import jax, jax.numpy as jnp
import numpy as np

N = 100000
HIDDEN = 128
NUM_GRAPHS = 512
NUM_CLASSES = 10

def setup_inputs(seed: int = 0) -> dict:
    key = jax.random.key(seed)
    k1, k2, k3, k4, k5, k6 = jax.random.split(key, 6)
    x = jax.random.normal(k1, (N, HIDDEN), dtype=jnp.float32)
    batch = jnp.sort(jax.random.randint(k2, (N,), 0, NUM_GRAPHS, dtype=jnp.int64))
    # Linear params (torch Linear: y = x @ W.T + b); store as [in, out] for jnp
    lim1 = 1.0 / np.sqrt(HIDDEN)
    W1 = jax.random.uniform(k3, (HIDDEN, HIDDEN), minval=-lim1, maxval=lim1, dtype=jnp.float32)
    b1 = jax.random.uniform(k4, (HIDDEN,), minval=-lim1, maxval=lim1, dtype=jnp.float32)
    lim2 = 1.0 / np.sqrt(HIDDEN)
    W2 = jax.random.uniform(k5, (HIDDEN, NUM_CLASSES), minval=-lim2, maxval=lim2, dtype=jnp.float32)
    b2 = jax.random.uniform(k6, (NUM_CLASSES,), minval=-lim2, maxval=lim2, dtype=jnp.float32)
    return {"x": x, "batch": batch, "W1": W1, "b1": b1, "W2": W2, "b2": b2}

def reference(x, batch, W1, b1, W2, b2):
    # global_add_pool: segment sum of node features into per-graph features
    pooled = jax.ops.segment_sum(x, batch, num_segments=NUM_GRAPHS)
    out = pooled @ W1 + b1
    out = jax.nn.relu(out)
    out = out @ W2 + b2
    out = jax.nn.log_softmax(out, axis=-1)
    return out

if __name__ == "__main__":
    import jax
    _d = setup_inputs()
    print(jax.jit(kernel)(*tuple(_d.values())))

</pallas_src>

<mosaic_0001>
#map = affine_map<(d0, d1) -> (0, 0)>
#map1 = affine_map<(d0, d1) -> (0)>
module attributes {stable_mosaic.version = 14 : i64} {
  func.func @_sc_pool(%arg0: i32, %arg1: i32, %arg2: memref<100000x128xf32, #tpu.memory_space<hbm>>, %arg3: memref<100000xi32, #tpu.memory_space<hbm>>, %arg4: memref<1024x128xf32, #tpu.memory_space<hbm>>, %arg5: memref<128xi32, #tpu.memory_space<vmem>>, %arg6: memref<128xi32, #tpu.memory_space<vmem>>, %arg7: memref<128x128xf32, #tpu.memory_space<vmem>>, %arg8: memref<128x128xf32, #tpu.memory_space<vmem>>, %arg9: memref<32xi32, #tpu.memory_space<vmem>>, %arg10: memref<32x128xf32, #tpu.memory_space<vmem>>, %arg11: memref<512x128xf32, #tpu.memory_space<vmem_shared>>, %arg12: memref<!tpu.dma_semaphore, #tpu.memory_space<semaphore_mem>>, %arg13: memref<!tpu.dma_semaphore, #tpu.memory_space<semaphore_mem>>) attributes {dimension_semantics = [#tpu.dimension_semantics<core_parallel>, #tpu.dimension_semantics<subcore_parallel>], iteration_bounds = array<i64: 2, 16>, scalar_prefetch = 0 : i64, scratch_operands = 9 : i64, tpu.core_type = #tpu.core_type<sc_vector_subcore>, window_params = [{transform_indices = #map}, {transform_indices = #map1}, {transform_indices = #map}]} {
    %mul3A = arith.constant 16 : i32
    %mul3A_0 = arith.muli %arg0, %mul3A : i32
    %add3A = arith.addi %mul3A_0, %arg1 : i32
    %scan3A = arith.constant 0 : i32
    %scan3A_1 = arith.constant 32 : i32
    %scan3A_2 = arith.addi %scan3A, %scan3A_1 : i32
    %scan3A_3 = arith.constant 1 : i32
    scf.for %scan3A_54 = %scan3A to %scan3A_2 step %scan3A_3  : i32 {
      %mul3A_55 = arith.constant 1 : i32
      %mul3A_56 = arith.muli %scan3A_54, %mul3A_55 : i32
      %add3A_57 = arith.constant 0 : i32
      %add3A_58 = arith.addi %add3A_57, %mul3A_56 : i32
      %scan3A_59 = arith.constant 0 : i32
      %scan3A_60 = arith.constant 8 : i32
      %scan3A_61 = arith.addi %scan3A_59, %scan3A_60 : i32
      %scan3A_62 = arith.constant 1 : i32
      scf.for %scan3A_64 = %scan3A_59 to %scan3A_61 step %scan3A_62  : i32 {
        %mul3A_65 = arith.constant 1 : i32
        %mul3A_66 = arith.muli %scan3A_64, %mul3A_65 : i32
        %add3A_67 = arith.constant 0 : i32
        %add3A_68 = arith.addi %add3A_67, %mul3A_66 : i32
        %broadcast_in_dim3A = arith.constant 0.000000e+00 : f32
        %broadcast_in_dim3A_69 = vector.broadcast %broadcast_in_dim3A : f32 to vector<16xf32>
        %mul3A_70 = arith.constant 16 : i32
        %mul3A_71 = arith.muli %add3A_68, %mul3A_70 : i32
        %swap3A = arith.index_cast %add3A_58 : i32 to index
        %swap3A_72 = arith.index_cast %mul3A_71 : i32 to index
        %swap3A_73 = tpu.vector_load %arg7[%swap3A, %swap3A_72] {strides = array<i32>} : memref<128x128xf32, #tpu.memory_space<vmem>>, vector<1x16xf32>,
        %swap3A_74 = vector.shape_cast %swap3A_73 : vector<1x16xf32> to vector<16xf32>
        %swap3A_75 = vector.shape_cast %broadcast_in_dim3A_69 : vector<16xf32> to vector<1x16xf32>
        tpu.vector_store %arg7[%swap3A, %swap3A_72], %swap3A_75 {strides = array<i32>} : memref<128x128xf32, #tpu.memory_space<vmem>>, vector<1x16xf32>,
      }
      %scan3A_63 = arith.constant 8 : i32
    }
    %scan3A_4 = arith.constant 32 : i32
    %mul3A_5 = arith.constant 32 : i32
    %mul3A_6 = arith.muli %arg1, %mul3A_5 : i32
    "tpu.region"() ({
      %run_scoped3A = tpu.sem_alloc : memref<!tpu.dma_semaphore, #tpu.memory_space<semaphore_mem>>
      %dma_start3A_54 = arith.constant 0 : i32
      %dma_start3A_55 = arith.constant 0 : i32
      %dma_start3A_56 = tpu.memref_slice %arg7[%dma_start3A_54, %dma_start3A_55] : memref<128x128xf32, #tpu.memory_space<vmem>> -> memref<32x128xf32, #tpu.memory_space<vmem>>
      %dma_start3A_57 = arith.constant 0 : i32
      %dma_start3A_58 = tpu.memref_slice %arg11[%mul3A_6, %dma_start3A_57] : memref<512x128xf32, #tpu.memory_space<vmem_shared>> -> memref<32x128xf32, #tpu.memory_space<vmem_shared>>
      %dma_start3A_59 = arith.constant 0 : i32
      %dma_start3A_60 = tpu.memref_slice %arg11[%mul3A_6, %dma_start3A_59] : memref<512x128xf32, #tpu.memory_space<vmem_shared>> -> memref<32x128xf32, #tpu.memory_space<vmem_shared>>
      %dma_start3A_61 = arith.constant 0 : i32
      %dma_start3A_62 = arith.constant 0 : i32
      %dma_start3A_63 = tpu.memref_slice %arg7[%dma_start3A_61, %dma_start3A_62] : memref<128x128xf32, #tpu.memory_space<vmem>> -> memref<32x128xf32, #tpu.memory_space<vmem>>
      tpu.enqueue_dma source(%dma_start3A_63 : memref<32x128xf32, #tpu.memory_space<vmem>>) target(%dma_start3A_60 : memref<32x128xf32, #tpu.memory_space<vmem_shared>>) target_semaphore(%run_scoped3A : memref<!tpu.dma_semaphore, #tpu.memory_space<semaphore_mem>>)
      %dma_wait3A_64 = arith.constant 0 : i32
      %dma_wait3A_65 = arith.constant 0 : i32
      %dma_wait3A_66 = tpu.memref_slice %arg7[%dma_wait3A_64, %dma_wait3A_65] : memref<128x128xf32, #tpu.memory_space<vmem>> -> memref<32x128xf32, #tpu.memory_space<vmem>>
      %dma_wait3A_67 = arith.constant 0 : i32
      %dma_wait3A_68 = tpu.memref_slice %arg11[%mul3A_6, %dma_wait3A_67] : memref<512x128xf32, #tpu.memory_space<vmem_shared>> -> memref<32x128xf32, #tpu.memory_space<vmem_shared>>
      %dma_wait3A_69 = arith.constant 0 : i32
      %dma_wait3A_70 = tpu.memref_slice %arg11[%mul3A_6, %dma_wait3A_69] : memref<512x128xf32, #tpu.memory_space<vmem_shared>> -> memref<32x128xf32, #tpu.memory_space<vmem_shared>>
      %dma_wait3A_71 = arith.constant 0 : i32
      %dma_wait3A_72 = arith.constant 0 : i32
      %dma_wait3A_73 = tpu.memref_slice %arg7[%dma_wait3A_71, %dma_wait3A_72] : memref<128x128xf32, #tpu.memory_space<vmem>> -> memref<32x128xf32, #tpu.memory_space<vmem>>
      tpu.wait_dma2 semaphore(%run_scoped3A : memref<!tpu.dma_semaphore, #tpu.memory_space<semaphore_mem>>) src(%dma_wait3A_73 : memref<32x128xf32, #tpu.memory_space<vmem>>) dst(%dma_wait3A_70 : memref<32x128xf32, #tpu.memory_space<vmem_shared>>)
      tpu.yield
    }) : () -> ()
    %barrier3A = arith.constant 0 : index
    tpu.barrier barrier_id(%barrier3A)
    %mul3A_7 = arith.constant 128 : i32
    %mul3A_8 = arith.muli %add3A, %mul3A_7 : i32
    %add3A_9 = arith.constant 63104 : i32
    %add3A_10 = arith.addi %add3A_9, %mul3A_8 : i32
    %dma_start3A = tpu.memref_slice %arg3[%add3A_10] : memref<100000xi32, #tpu.memory_space<hbm>> -> memref<128xi32, #tpu.memory_space<hbm>>
    %dma_start3A_11 = tpu.memref_slice %arg3[%add3A_10] : memref<100000xi32, #tpu.memory_space<hbm>> -> memref<128xi32, #tpu.memory_space<hbm>>
    tpu.enqueue_dma source(%dma_start3A_11 : memref<128xi32, #tpu.memory_space<hbm>>) target(%arg5 : memref<128xi32, #tpu.memory_space<vmem>>) target_semaphore(%arg12 : memref<!tpu.dma_semaphore, #tpu.memory_space<semaphore_mem>>)
    %dma_start3A_12 = arith.constant 0 : i32
    %dma_start3A_13 = tpu.memref_slice %arg2[%add3A_10, %dma_start3A_12] : memref<100000x128xf32, #tpu.memory_space<hbm>> -> memref<128x128xf32, #tpu.memory_space<hbm>>
    %dma_start3A_14 = arith.constant 0 : i32
    %dma_start3A_15 = tpu.memref_slice %arg2[%add3A_10, %dma_start3A_14] : memref<100000x128xf32, #tpu.memory_space<hbm>> -> memref<128x128xf32, #tpu.memory_space<hbm>>
    tpu.enqueue_dma source(%dma_start3A_15 : memref<128x128xf32, #tpu.memory_space<hbm>>) target(%arg7 : memref<128x128xf32, #tpu.memory_space<vmem>>) target_semaphore(%arg12 : memref<!tpu.dma_semaphore, #tpu.memory_space<semaphore_mem>>)
    %add3A_16 = arith.constant 32 : i32
    %add3A_17 = arith.addi %add3A, %add3A_16 : i32
    %mul3A_18 = arith.constant 128 : i32
    %mul3A_19 = arith.muli %add3A_17, %mul3A_18 : i32
    %add3A_20 = arith.constant 63104 : i32
    %add3A_21 = arith.addi %add3A_20, %mul3A_19 : i32
    %dma_start3A_22 = tpu.memref_slice %arg3[%add3A_21] : memref<100000xi32, #tpu.memory_space<hbm>> -> memref<128xi32, #tpu.memory_space<hbm>>
    %dma_start3A_23 = tpu.memref_slice %arg3[%add3A_21] : memref<100000xi32, #tpu.memory_space<hbm>> -> memref<128xi32, #tpu.memory_space<hbm>>
    tpu.enqueue_dma source(%dma_start3A_23 : memref<128xi32, #tpu.memory_space<hbm>>) target(%arg6 : memref<128xi32, #tpu.memory_space<vmem>>) target_semaphore(%arg13 : memref<!tpu.dma_semaphore, #tpu.memory_space<semaphore_mem>>)
    %dma_start3A_24 = arith.constant 0 : i32
    %dma_start3A_25 = tpu.memref_slice %arg2[%add3A_21, %dma_start3A_24] : memref<100000x128xf32, #tpu.memory_space<hbm>> -> memref<128x128xf32, #tpu.memory_space<hbm>>
    %dma_start3A_26 = arith.constant 0 : i32
    %dma_start3A_27 = tpu.memref_slice %arg2[%add3A_21, %dma_start3A_26] : memref<100000x128xf32, #tpu.memory_space<hbm>> -> memref<128x128xf32, #tpu.memory_space<hbm>>
    tpu.enqueue_dma source(%dma_start3A_27 : memref<128x128xf32, #tpu.memory_space<hbm>>) target(%arg8 : memref<128x128xf32, #tpu.memory_space<vmem>>) target_semaphore(%arg13 : memref<!tpu.dma_semaphore, #tpu.memory_space<semaphore_mem>>)
    %scan3A_28 = arith.constant 0 : i32
    %scan3A_29 = arith.constant 4 : i32
    %scan3A_30 = arith.addi %scan3A_28, %scan3A_29 : i32
    %scan3A_31 = arith.constant 1 : i32
    scf.for %scan3A_54 = %scan3A_28 to %scan3A_30 step %scan3A_31  : i32 {
      %mul3A_55 = arith.constant 1 : i32
      %mul3A_56 = arith.muli %scan3A_54, %mul3A_55 : i32
      %add3A_57 = arith.constant 0 : i32
      %add3A_58 = arith.addi %add3A_57, %mul3A_56 : i32
      %mul3A_59 = arith.constant 2 : i32
      %mul3A_60 = arith.muli %mul3A_59, %add3A_58 : i32
      %add3A_61 = arith.constant 0 : i32
      %add3A_62 = arith.addi %mul3A_60, %add3A_61 : i32
      %mul3A_63 = arith.constant 32 : i32
      %mul3A_64 = arith.muli %add3A_62, %mul3A_63 : i32
      %add3A_65 = arith.addi %add3A, %mul3A_64 : i32
      %mul3A_66 = arith.constant 128 : i32
      %mul3A_67 = arith.muli %add3A_65, %mul3A_66 : i32
      %add3A_68 = arith.constant 63104 : i32
      %add3A_69 = arith.addi %add3A_68, %mul3A_67 : i32
      %dma_wait3A_70 = tpu.memref_slice %arg3[%add3A_69] : memref<100000xi32, #tpu.memory_space<hbm>> -> memref<128xi32, #tpu.memory_space<hbm>>
      %dma_wait3A_71 = tpu.memref_slice %arg3[%add3A_69] : memref<100000xi32, #tpu.memory_space<hbm>> -> memref<128xi32, #tpu.memory_space<hbm>>
      tpu.wait_dma2 semaphore(%arg12 : memref<!tpu.dma_semaphore, #tpu.memory_space<semaphore_mem>>) src(%dma_wait3A_71 : memref<128xi32, #tpu.memory_space<hbm>>) dst(%arg5 : memref<128xi32, #tpu.memory_space<vmem>>)
      %dma_wait3A_72 = arith.constant 0 : i32
      %dma_wait3A_73 = tpu.memref_slice %arg2[%add3A_69, %dma_wait3A_72] : memref<100000x128xf32, #tpu.memory_space<hbm>> -> memref<128x128xf32, #tpu.memory_space<hbm>>
      %dma_wait3A_74 = arith.constant 0 : i32
      %dma_wait3A_75 = tpu.memref_slice %arg2[%add3A_69, %dma_wait3A_74] : memref<100000x128xf32, #tpu.memory_space<hbm>> -> memref<128x128xf32, #tpu.memory_space<hbm>>
      tpu.wait_dma2 semaphore(%arg12 : memref<!tpu.dma_semaphore, #tpu.memory_space<semaphore_mem>>) src(%dma_wait3A_75 : memref<128x128xf32, #tpu.memory_space<hbm>>) dst(%arg7 : memref<128x128xf32, #tpu.memory_space<vmem>>)
      "tpu.region"() ({
        %run_scoped3A = tpu.sem_alloc : memref<!tpu.dma_semaphore, #tpu.memory_space<semaphore_mem>>
        %dma_start3A_111 = arith.constant 0 : i32
        %dma_start3A_112 = arith.constant 0 : i32
        %dma_start3A_113 = tpu.memref_slice %arg11[%dma_start3A_111, %dma_start3A_112] : memref<512x128xf32, #tpu.memory_space<vmem_shared>> -> memref<512x128xf32, #tpu.memory_space<vmem_shared>>
        tpu.enqueue_indirect_dma source(%arg7 : memref<128x128xf32, #tpu.memory_space<vmem>>) target(%dma_start3A_113 : memref<512x128xf32, #tpu.memory_space<vmem_shared>>) offsets(%arg5 : memref<128xi32, #tpu.memory_space<vmem>>) semaphore(%run_scoped3A : memref<!tpu.dma_semaphore, #tpu.memory_space<semaphore_mem>>) {add = true}
        %dma_wait3A_114 = arith.constant 0 : i32
        %dma_wait3A_115 = arith.constant 0 : i32
        %dma_wait3A_116 = tpu.memref_slice %arg11[%dma_wait3A_114, %dma_wait3A_115] : memref<512x128xf32, #tpu.memory_space<vmem_shared>> -> memref<512x128xf32, #tpu.memory_space<vmem_shared>>
        tpu.wait_indirect_dma semaphore(%run_scoped3A : memref<!tpu.dma_semaphore, #tpu.memory_space<semaphore_mem>>) src(%arg7 : memref<128x128xf32, #tpu.memory_space<vmem>>) dst(%dma_wait3A_116 : memref<512x128xf32, #tpu.memory_space<vmem_shared>>)
        tpu.yield
      }) : () -> ()
      %add3A_76 = arith.constant 64 : i32
      %add3A_77 = arith.addi %add3A_65, %add3A_76 : i32
      %mul3A_78 = arith.constant 128 : i32
      %mul3A_79 = arith.muli %add3A_77, %mul3A_78 : i32
      %add3A_80 = arith.constant 63104 : i32
      %add3A_81 = arith.addi %add3A_80, %mul3A_79 : i32
      %dma_start3A_82 = tpu.memref_slice %arg3[%add3A_81] : memref<100000xi32, #tpu.memory_space<hbm>> -> memref<128xi32, #tpu.memory_space<hbm>>
      %dma_start3A_83 = tpu.memref_slice %arg3[%add3A_81] : memref<100000xi32, #tpu.memory_space<hbm>> -> memref<128xi32, #tpu.memory_space<hbm>>
      tpu.enqueue_dma source(%dma_start3A_83 : memref<128xi32, #tpu.memory_space<hbm>>) target(%arg5 : memref<128xi32, #tpu.memory_space<vmem>>) target_semaphore(%arg12 : memref<!tpu.dma_semaphore, #tpu.memory_space<semaphore_mem>>)
      %dma_start3A_84 = arith.constant 0 : i32
      %dma_start3A_85 = tpu.memref_slice %arg2[%add3A_81, %dma_start3A_84] : memref<100000x128xf32, #tpu.memory_space<hbm>> -> memref<128x128xf32, #tpu.memory_space<hbm>>
      %dma_start3A_86 = arith.constant 0 : i32
      %dma_start3A_87 = tpu.memref_slice %arg2[%add3A_81, %dma_start3A_86] : memref<100000x128xf32, #tpu.memory_space<hbm>> -> memref<128x128xf32, #tpu.memory_space<hbm>>
      tpu.enqueue_dma source(%dma_start3A_87 : memref<128x128xf32, #tpu.memory_space<hbm>>) target(%arg7 : memref<128x128xf32, #tpu.memory_space<vmem>>) target_semaphore(%arg12 : memref<!tpu.dma_semaphore, #tpu.memory_space<semaphore_mem>>)
      %mul3A_88 = arith.constant 2 : i32
      %mul3A_89 = arith.muli %mul3A_88, %add3A_58 : i32
      %add3A_90 = arith.constant 1 : i32
      %add3A_91 = arith.addi %mul3A_89, %add3A_90 : i32
      %mul3A_92 = arith.constant 32 : i32
      %mul3A_93 = arith.muli %add3A_91, %mul3A_92 : i32
      %add3A_94 = arith.addi %add3A, %mul3A_93 : i32
      %mul3A_95 = arith.constant 128 : i32
      %mul3A_96 = arith.muli %add3A_94, %mul3A_95 : i32
      %add3A_97 = arith.constant 63104 : i32
      %add3A_98 = arith.addi %add3A_97, %mul3A_96 : i32
      %dma_wait3A_99 = tpu.memref_slice %arg3[%add3A_98] : memref<100000xi32, #tpu.memory_space<hbm>> -> memref<128xi32, #tpu.memory_space<hbm>>
      %dma_wait3A_100 = tpu.memref_slice %arg3[%add3A_98] : memref<100000xi32, #tpu.memory_space<hbm>> -> memref<128xi32, #tpu.memory_space<hbm>>
      tpu.wait_dma2 semaphore(%arg13 : memref<!tpu.dma_semaphore, #tpu.memory_space<semaphore_mem>>) src(%dma_wait3A_100 : memref<128xi32, #tpu.memory_space<hbm>>) dst(%arg6 : memref<128xi32, #tpu.memory_space<vmem>>)
      %dma_wait3A_101 = arith.constant 0 : i32
      %dma_wait3A_102 = tpu.memref_slice %arg2[%add3A_98, %dma_wait3A_101] : memref<100000x128xf32, #tpu.memory_space<hbm>> -> memref<128x128xf32, #tpu.memory_space<hbm>>
      %dma_wait3A_103 = arith.constant 0 : i32
      %dma_wait3A_104 = tpu.memref_slice %arg2[%add3A_98, %dma_wait3A_103] : memref<100000x128xf32, #tpu.memory_space<hbm>> -> memref<128x128xf32, #tpu.memory_space<hbm>>
      tpu.wait_dma2 semaphore(%arg13 : memref<!tpu.dma_semaphore, #tpu.memory_space<semaphore_mem>>) src(%dma_wait3A_104 : memref<128x128xf32, #tpu.memory_space<hbm>>) dst(%arg8 : memref<128x128xf32, #tpu.memory_space<vmem>>)
      "tpu.region"() ({
        %run_scoped3A = tpu.sem_alloc : memref<!tpu.dma_semaphore, #tpu.memory_space<semaphore_mem>>
        %dma_start3A_111 = arith.constant 0 : i32
        %dma_start3A_112 = arith.constant 0 : i32
        %dma_start3A_113 = tpu.memref_slice %arg11[%dma_start3A_111, %dma_start3A_112] : memref<512x128xf32, #tpu.memory_space<vmem_shared>> -> memref<512x128xf32, #tpu.memory_space<vmem_shared>>
        tpu.enqueue_indirect_dma source(%arg8 : memref<128x128xf32, #tpu.memory_space<vmem>>) target(%dma_start3A_113 : memref<512x128xf32, #tpu.memory_space<vmem_shared>>) offsets(%arg6 : memref<128xi32, #tpu.memory_space<vmem>>) semaphore(%run_scoped3A : memref<!tpu.dma_semaphore, #tpu.memory_space<semaphore_mem>>) {add = true}
        %dma_wait3A_114 = arith.constant 0 : i32
        %dma_wait3A_115 = arith.constant 0 : i32
        %dma_wait3A_116 = tpu.memref_slice %arg11[%dma_wait3A_114, %dma_wait3A_115] : memref<512x128xf32, #tpu.memory_space<vmem_shared>> -> memref<512x128xf32, #tpu.memory_space<vmem_shared>>
        tpu.wait_indirect_dma semaphore(%run_scoped3A : memref<!tpu.dma_semaphore, #tpu.memory_space<semaphore_mem>>) src(%arg8 : memref<128x128xf32, #tpu.memory_space<vmem>>) dst(%dma_wait3A_116 : memref<512x128xf32, #tpu.memory_space<vmem_shared>>)
        tpu.yield
      }) : () -> ()
      %add3A_105 = arith.constant 2 : i32
      %add3A_106 = arith.addi %add3A_91, %add3A_105 : i32
      %lt3A = arith.constant 9 : i32
      %lt3A_107 = arith.cmpi slt, %add3A_106, %lt3A : i32
      %convert_element_type3A_108 = arith.extui %lt3A_107 : i1 to i32
      %cond3A_109 = arith.constant 0 : i32
      %cond3A_110 = arith.cmpi ne, %convert_element_type3A_108, %cond3A_109 : i32
      scf.if %cond3A_110 {
        %add3A_111 = arith.constant 64 : i32
        %add3A_112 = arith.addi %add3A_94, %add3A_111 : i32
        %mul3A_113 = arith.constant 128 : i32
        %mul3A_114 = arith.muli %add3A_112, %mul3A_113 : i32
        %add3A_115 = arith.constant 63104 : i32
        %add3A_116 = arith.addi %add3A_115, %mul3A_114 : i32
        %dma_start3A_117 = tpu.memref_slice %arg3[%add3A_116] : memref<100000xi32, #tpu.memory_space<hbm>> -> memref<128xi32, #tpu.memory_space<hbm>>
        %dma_start3A_118 = tpu.memref_slice %arg3[%add3A_116] : memref<100000xi32, #tpu.memory_space<hbm>> -> memref<128xi32, #tpu.memory_space<hbm>>
        tpu.enqueue_dma source(%dma_start3A_118 : memref<128xi32, #tpu.memory_space<hbm>>) target(%arg6 : memref<128xi32, #tpu.memory_space<vmem>>) target_semaphore(%arg13 : memref<!tpu.dma_semaphore, #tpu.memory_space<semaphore_mem>>)
        %dma_start3A_119 = arith.constant 0 : i32
        %dma_start3A_120 = tpu.memref_slice %arg2[%add3A_116, %dma_start3A_119] : memref<100000x128xf32, #tpu.memory_space<hbm>> -> memref<128x128xf32, #tpu.memory_space<hbm>>
        %dma_start3A_121 = arith.constant 0 : i32
        %dma_start3A_122 = tpu.memref_slice %arg2[%add3A_116, %dma_start3A_121] : memref<100000x128xf32, #tpu.memory_space<hbm>> -> memref<128x128xf32, #tpu.memory_space<hbm>>
        tpu.enqueue_dma source(%dma_start3A_122 : memref<128x128xf32, #tpu.memory_space<hbm>>) target(%arg8 : memref<128x128xf32, #tpu.memory_space<vmem>>) target_semaphore(%arg13 : memref<!tpu.dma_semaphore, #tpu.memory_space<semaphore_mem>>)
      } else {
      }
    }
    %scan3A_32 = arith.constant 4 : i32
    %add3A_33 = arith.constant 256 : i32
    %add3A_34 = arith.addi %add3A, %add3A_33 : i32
    %mul3A_35 = arith.constant 128 : i32
    %mul3A_36 = arith.muli %add3A_34, %mul3A_35 : i32
    %add3A_37 = arith.constant 63104 : i32
    %add3A_38 = arith.addi %add3A_37, %mul3A_36 : i32
    %dma_wait3A = tpu.memref_slice %arg3[%add3A_38] : memref<100000xi32, #tpu.memory_space<hbm>> -> memref<128xi32, #tpu.memory_space<hbm>>
    %dma_wait3A_39 = tpu.memref_slice %arg3[%add3A_38] : memref<100000xi32, #tpu.memory_space<hbm>> -> memref<128xi32, #tpu.memory_space<hbm>>
    tpu.wait_dma2 semaphore(%arg12 : memref<!tpu.dma_semaphore, #tpu.memory_space<semaphore_mem>>) src(%dma_wait3A_39 : memref<128xi32, #tpu.memory_space<hbm>>) dst(%arg5 : memref<128xi32, #tpu.memory_space<vmem>>)
    %dma_wait3A_40 = arith.constant 0 : i32
    %dma_wait3A_41 = tpu.memref_slice %arg2[%add3A_38, %dma_wait3A_40] : memref<100000x128xf32, #tpu.memory_space<hbm>> -> memref<128x128xf32, #tpu.memory_space<hbm>>
    %dma_wait3A_42 = arith.constant 0 : i32
    %dma_wait3A_43 = tpu.memref_slice %arg2[%add3A_38, %dma_wait3A_42] : memref<100000x128xf32, #tpu.memory_space<hbm>> -> memref<128x128xf32, #tpu.memory_space<hbm>>
    tpu.wait_dma2 semaphore(%arg12 : memref<!tpu.dma_semaphore, #tpu.memory_space<semaphore_mem>>) src(%dma_wait3A_43 : memref<128x128xf32, #tpu.memory_space<hbm>>) dst(%arg7 : memref<128x128xf32, #tpu.memory_space<vmem>>)
    "tpu.region"() ({
      %run_scoped3A = tpu.sem_alloc : memref<!tpu.dma_semaphore, #tpu.memory_space<semaphore_mem>>
      %dma_start3A_54 = arith.constant 0 : i32
      %dma_start3A_55 = arith.constant 0 : i32
      %dma_start3A_56 = tpu.memref_slice %arg11[%dma_start3A_54, %dma_start3A_55] : memref<512x128xf32, #tpu.memory_space<vmem_shared>> -> memref<512x128xf32, #tpu.memory_space<vmem_shared>>
      tpu.enqueue_indirect_dma source(%arg7 : memref<128x128xf32, #tpu.memory_space<vmem>>) target(%dma_start3A_56 : memref<512x128xf32, #tpu.memory_space<vmem_shared>>) offsets(%arg5 : memref<128xi32, #tpu.memory_space<vmem>>) semaphore(%run_scoped3A : memref<!tpu.dma_semaphore, #tpu.memory_space<semaphore_mem>>) {add = true}
      %dma_wait3A_57 = arith.constant 0 : i32
      %dma_wait3A_58 = arith.constant 0 : i32
      %dma_wait3A_59 = tpu.memref_slice %arg11[%dma_wait3A_57, %dma_wait3A_58] : memref<512x128xf32, #tpu.memory_space<vmem_shared>> -> memref<512x128xf32, #tpu.memory_space<vmem_shared>>
      tpu.wait_indirect_dma semaphore(%run_scoped3A : memref<!tpu.dma_semaphore, #tpu.memory_space<semaphore_mem>>) src(%arg7 : memref<128x128xf32, #tpu.memory_space<vmem>>) dst(%dma_wait3A_59 : memref<512x128xf32, #tpu.memory_space<vmem_shared>>)
      tpu.yield
    }) : () -> ()
    %eq3A = arith.constant 31 : i32
    %eq3A_44 = arith.cmpi eq, %add3A, %eq3A : i32
    %convert_element_type3A = arith.extui %eq3A_44 : i1 to i32
    %cond3A = arith.constant 0 : i32
    %cond3A_45 = arith.cmpi ne, %convert_element_type3A, %cond3A : i32
    scf.if %cond3A_45 {
      "tpu.region"() ({
        %run_scoped3A = tpu.sem_alloc : memref<!tpu.dma_semaphore, #tpu.memory_space<semaphore_mem>>
        %dma_start3A_54 = arith.constant 99968 : i32
        %dma_start3A_55 = tpu.memref_slice %arg3[%dma_start3A_54] : memref<100000xi32, #tpu.memory_space<hbm>> -> memref<32xi32, #tpu.memory_space<hbm>>
        %dma_start3A_56 = arith.constant 99968 : i32
        %dma_start3A_57 = tpu.memref_slice %arg3[%dma_start3A_56] : memref<100000xi32, #tpu.memory_space<hbm>> -> memref<32xi32, #tpu.memory_space<hbm>>
        tpu.enqueue_dma source(%dma_start3A_57 : memref<32xi32, #tpu.memory_space<hbm>>) target(%arg9 : memref<32xi32, #tpu.memory_space<vmem>>) target_semaphore(%run_scoped3A : memref<!tpu.dma_semaphore, #tpu.memory_space<semaphore_mem>>)
        %dma_wait3A_58 = arith.constant 99968 : i32
        %dma_wait3A_59 = tpu.memref_slice %arg3[%dma_wait3A_58] : memref<100000xi32, #tpu.memory_space<hbm>> -> memref<32xi32, #tpu.memory_space<hbm>>
        %dma_wait3A_60 = arith.constant 99968 : i32
        %dma_wait3A_61 = tpu.memref_slice %arg3[%dma_wait3A_60] : memref<100000xi32, #tpu.memory_space<hbm>> -> memref<32xi32, #tpu.memory_space<hbm>>
        tpu.wait_dma2 semaphore(%run_scoped3A : memref<!tpu.dma_semaphore, #tpu.memory_space<semaphore_mem>>) src(%dma_wait3A_61 : memref<32xi32, #tpu.memory_space<hbm>>) dst(%arg9 : memref<32xi32, #tpu.memory_space<vmem>>)
        tpu.yield
      }) : () -> ()
      "tpu.region"() ({
        %run_scoped3A = tpu.sem_alloc : memref<!tpu.dma_semaphore, #tpu.memory_space<semaphore_mem>>
        %dma_start3A_54 = arith.constant 99968 : i32
        %dma_start3A_55 = arith.constant 0 : i32
        %dma_start3A_56 = tpu.memref_slice %arg2[%dma_start3A_54, %dma_start3A_55] : memref<100000x128xf32, #tpu.memory_space<hbm>> -> memref<32x128xf32, #tpu.memory_space<hbm>>
        %dma_start3A_57 = arith.constant 99968 : i32
        %dma_start3A_58 = arith.constant 0 : i32
        %dma_start3A_59 = tpu.memref_slice %arg2[%dma_start3A_57, %dma_start3A_58] : memref<100000x128xf32, #tpu.memory_space<hbm>> -> memref<32x128xf32, #tpu.memory_space<hbm>>
        tpu.enqueue_dma source(%dma_start3A_59 : memref<32x128xf32, #tpu.memory_space<hbm>>) target(%arg10 : memref<32x128xf32, #tpu.memory_space<vmem>>) target_semaphore(%run_scoped3A : memref<!tpu.dma_semaphore, #tpu.memory_space<semaphore_mem>>)
        %dma_wait3A_60 = arith.constant 99968 : i32
        %dma_wait3A_61 = arith.constant 0 : i32
        %dma_wait3A_62 = tpu.memref_slice %arg2[%dma_wait3A_60, %dma_wait3A_61] : memref<100000x128xf32, #tpu.memory_space<hbm>> -> memref<32x128xf32, #tpu.memory_space<hbm>>
        %dma_wait3A_63 = arith.constant 99968 : i32
        %dma_wait3A_64 = arith.constant 0 : i32
        %dma_wait3A_65 = tpu.memref_slice %arg2[%dma_wait3A_63, %dma_wait3A_64] : memref<100000x128xf32, #tpu.memory_space<hbm>> -> memref<32x128xf32, #tpu.memory_space<hbm>>
        tpu.wait_dma2 semaphore(%run_scoped3A : memref<!tpu.dma_semaphore, #tpu.memory_space<semaphore_mem>>) src(%dma_wait3A_65 : memref<32x128xf32, #tpu.memory_space<hbm>>) dst(%arg10 : memref<32x128xf32, #tpu.memory_space<vmem>>)
        tpu.yield
      }) : () -> ()
      "tpu.region"() ({
        %run_scoped3A = tpu.sem_alloc : memref<!tpu.dma_semaphore, #tpu.memory_space<semaphore_mem>>
        %dma_start3A_54 = arith.constant 0 : i32
        %dma_start3A_55 = arith.constant 0 : i32
        %dma_start3A_56 = tpu.memref_slice %arg11[%dma_start3A_54, %dma_start3A_55] : memref<512x128xf32, #tpu.memory_space<vmem_shared>> -> memref<512x128xf32, #tpu.memory_space<vmem_shared>>
        tpu.enqueue_indirect_dma source(%arg10 : memref<32x128xf32, #tpu.memory_space<vmem>>) target(%dma_start3A_56 : memref<512x128xf32, #tpu.memory_space<vmem_shared>>) offsets(%arg9 : memref<32xi32, #tpu.memory_space<vmem>>) semaphore(%run_scoped3A : memref<!tpu.dma_semaphore, #tpu.memory_space<semaphore_mem>>) {add = true}
        %dma_wait3A_57 = arith.constant 0 : i32
        %dma_wait3A_58 = arith.constant 0 : i32
        %dma_wait3A_59 = tpu.memref_slice %arg11[%dma_wait3A_57, %dma_wait3A_58] : memref<512x128xf32, #tpu.memory_space<vmem_shared>> -> memref<512x128xf32, #tpu.memory_space<vmem_shared>>
        tpu.wait_indirect_dma semaphore(%run_scoped3A : memref<!tpu.dma_semaphore, #tpu.memory_space<semaphore_mem>>) src(%arg10 : memref<32x128xf32, #tpu.memory_space<vmem>>) dst(%dma_wait3A_59 : memref<512x128xf32, #tpu.memory_space<vmem_shared>>)
        tpu.yield
      }) : () -> ()
    } else {
    }
    %barrier3A_46 = arith.constant 0 : index
    tpu.barrier barrier_id(%barrier3A_46)
    %mul3A_47 = arith.constant 32 : i32
    %mul3A_48 = arith.muli %arg1, %mul3A_47 : i32
    %mul3A_49 = arith.constant 512 : i32
    %mul3A_50 = arith.muli %arg0, %mul3A_49 : i32
    %mul3A_51 = arith.constant 32 : i32
    %mul3A_52 = arith.muli %arg1, %mul3A_51 : i32
    %add3A_53 = arith.addi %mul3A_50, %mul3A_52 : i32
    "tpu.region"() ({
      %run_scoped3A = tpu.sem_alloc : memref<!tpu.dma_semaphore, #tpu.memory_space<semaphore_mem>>
      %dma_start3A_54 = arith.constant 0 : i32
      %dma_start3A_55 = tpu.memref_slice %arg4[%add3A_53, %dma_start3A_54] : memref<1024x128xf32, #tpu.memory_space<hbm>> -> memref<32x128xf32, #tpu.memory_space<hbm>>
      %dma_start3A_56 = arith.constant 0 : i32
      %dma_start3A_57 = tpu.memref_slice %arg11[%mul3A_48, %dma_start3A_56] : memref<512x128xf32, #tpu.memory_space<vmem_shared>> -> memref<32x128xf32, #tpu.memory_space<vmem_shared>>
      tpu.enqueue_dma source(%dma_start3A_57 : memref<32x128xf32, #tpu.memory_space<vmem_shared>>) target(%dma_start3A_55 : memref<32x128xf32, #tpu.memory_space<hbm>>) target_semaphore(%run_scoped3A : memref<!tpu.dma_semaphore, #tpu.memory_space<semaphore_mem>>)
      %dma_wait3A_58 = arith.constant 0 : i32
      %dma_wait3A_59 = tpu.memref_slice %arg4[%add3A_53, %dma_wait3A_58] : memref<1024x128xf32, #tpu.memory_space<hbm>> -> memref<32x128xf32, #tpu.memory_space<hbm>>
      %dma_wait3A_60 = arith.constant 0 : i32
      %dma_wait3A_61 = tpu.memref_slice %arg11[%mul3A_48, %dma_wait3A_60] : memref<512x128xf32, #tpu.memory_space<vmem_shared>> -> memref<32x128xf32, #tpu.memory_space<vmem_shared>>
      tpu.wait_dma2 semaphore(%run_scoped3A : memref<!tpu.dma_semaphore, #tpu.memory_space<semaphore_mem>>) src(%dma_wait3A_61 : memref<32x128xf32, #tpu.memory_space<vmem_shared>>) dst(%dma_wait3A_59 : memref<32x128xf32, #tpu.memory_space<hbm>>)
      tpu.yield
    }) : () -> ()
    return
  }
}

module attributes {stable_mosaic.version = 14 : i64} {
  func.func @_tc_pool_body(%arg0: i32, %arg1: memref<17xi32, #tpu.memory_space<smem>>, %arg2: memref<17xi32, #tpu.memory_space<smem>>, %arg3: memref<1x1x3712xi32, #tpu.memory_space<vmem>>, %arg4: memref<3712x128xf32, #tpu.memory_space<vmem>>, %arg5: memref<512x128xf32, #tpu.memory_space<vmem>>, %arg6: memref<544x128xf32, #tpu.memory_space<vmem>>) attributes {dimension_semantics = [#tpu.dimension_semantics<arbitrary>], iteration_bounds = array<i64: 17>, scalar_prefetch = 2 : i64, scratch_operands = 1 : i64, tpu.core_type = #tpu.core_type<tc>, window_params = [{transform_indices = @transform_0, window_bounds = array<i64: 1, 1, 3712>}, {transform_indices = @transform_1, window_bounds = array<i64: 3712, 128>}, {pipeline_mode = #tpu.pipeline_mode<synchronous>, transform_indices = @transform_2, window_bounds = array<i64: 512, 128>}]} {
    %eq3A = arith.constant 0 : i32
    %eq3A_0 = arith.cmpi eq, %arg0, %eq3A : i32
    %convert_element_type3A = arith.extui %eq3A_0 : i1 to i32
    %cond3A = arith.constant 0 : i32
    %cond3A_1 = arith.cmpi ne, %convert_element_type3A, %cond3A : i32
    scf.if %cond3A_1 {
      %broadcast_in_dim3A = arith.constant 0.000000e+00 : f32
      %broadcast_in_dim3A_112 = vector.broadcast %broadcast_in_dim3A : f32 to vector<544x128xf32>
      %swap3A = arith.constant 0 : index
      %swap3A_113 = arith.constant 0 : index
      %swap3A_114 = vector.load %arg6[%swap3A, %swap3A_113] : memref<544x128xf32, #tpu.memory_space<vmem>>, vector<544x128xf32>
      tpu.vector_store %arg6[%swap3A, %swap3A_113], %broadcast_in_dim3A_112 {strides = array<i32>} : memref<544x128xf32, #tpu.memory_space<vmem>>, vector<544x128xf32>,
    } else {
    }
    %get3A = arith.constant 0 : index
    %get3A_2 = arith.constant 0 : index
    %get3A_3 = arith.constant 0 : index
    %get3A_4 = vector.load %arg3[%get3A, %get3A_2, %get3A_3] : memref<1x1x3712xi32, #tpu.memory_space<vmem>>, vector<1x1x3712xi32>
    %get3A_5 = vector.shape_cast %get3A_4 : vector<1x1x3712xi32> to vector<3712xi32>
    %get3A_6 = arith.index_cast %arg0 : i32 to index
    %get3A_7 = memref.load %arg1[%get3A_6] : memref<17xi32, #tpu.memory_space<smem>>
    %get3A_8 = arith.index_cast %arg0 : i32 to index
    %get3A_9 = memref.load %arg2[%get3A_8] : memref<17xi32, #tpu.memory_space<smem>>
    %iota3A = tpu.iota {dimensions = array<i32: 0>} : vector<32x3712xi32>
    %get3A_10 = arith.constant 0 : index
    %get3A_11 = arith.constant 0 : index
    %get3A_12 = vector.load %arg4[%get3A_10, %get3A_11] : memref<3712x128xf32, #tpu.memory_space<vmem>>, vector<3712x128xf32>
    %add3A = arith.constant 0 : i32
    %add3A_13 = arith.addi %get3A_7, %add3A : i32
    %le3A = arith.cmpi sle, %add3A_13, %get3A_9 : i32
    %convert_element_type3A_14 = arith.extui %le3A : i1 to i32
    %cond3A_15 = arith.constant 0 : i32
    %cond3A_16 = arith.cmpi ne, %convert_element_type3A_14, %cond3A_15 : i32
    scf.if %cond3A_16 {
      %broadcast_in_dim3A = vector.shape_cast %get3A_5 : vector<3712xi32> to vector<1x3712xi32>
      %add3A_112 = vector.broadcast %add3A_13 : i32 to vector<32x3712xi32>
      %add3A_113 = arith.addi %add3A_112, %iota3A : vector<32x3712xi32>
      %eq3A_114 = vector.broadcast %broadcast_in_dim3A : vector<1x3712xi32> to vector<32x3712xi32>
      %eq3A_115 = arith.cmpi eq, %eq3A_114, %add3A_113 : vector<32x3712xi32>
      %jit3A = arith.constant 1.000000e+00 : f32
      %jit3A_116 = arith.constant 0.000000e+00 : f32
      %broadcast_in_dim3A_117 = vector.broadcast %jit3A : f32 to vector<32x3712xf32>
      %broadcast_in_dim3A_118 = vector.broadcast %jit3A_116 : f32 to vector<32x3712xf32>
      %select_n3A = arith.select %eq3A_115, %broadcast_in_dim3A_117, %broadcast_in_dim3A_118 : vector<32x3712xi1>, vector<32x3712xf32>
      %get3A_119 = arith.index_cast %add3A_13 : i32 to index
      %get3A_120 = arith.constant 0 : index
      %get3A_121 = vector.load %arg6[%get3A_119, %get3A_120] : memref<544x128xf32, #tpu.memory_space<vmem>>, vector<32x128xf32>
      %dot_general3A = arith.constant dense<0.000000e+00> : vector<32x128xf32>
      %dot_general3A_122 = tpu.matmul %select_n3A, %get3A_12, %dot_general3A {dimension_numbers = #tpu.dot_dimension_numbers<[1], [0], [0], [1], [0, 0, 1, 1], [], []>, transpose_lhs_hint = false} : vector<32x3712xf32>, vector<3712x128xf32>, vector<32x128xf32> -> vector<32x128xf32>
      %add3A_123 = arith.addf %get3A_121, %dot_general3A_122 : vector<32x128xf32>
      %swap3A = arith.index_cast %add3A_13 : i32 to index
      %swap3A_124 = arith.constant 0 : index
      %swap3A_125 = vector.load %arg6[%swap3A, %swap3A_124] : memref<544x128xf32, #tpu.memory_space<vmem>>, vector<32x128xf32>
      tpu.vector_store %arg6[%swap3A, %swap3A_124], %add3A_123 {strides = array<i32>} : memref<544x128xf32, #tpu.memory_space<vmem>>, vector<32x128xf32>,
    } else {
    }
    %add3A_17 = arith.constant 32 : i32
    %add3A_18 = arith.addi %get3A_7, %add3A_17 : i32
    %le3A_19 = arith.cmpi sle, %add3A_18, %get3A_9 : i32
    %convert_element_type3A_20 = arith.extui %le3A_19 : i1 to i32
    %cond3A_21 = arith.constant 0 : i32
    %cond3A_22 = arith.cmpi ne, %convert_element_type3A_20, %cond3A_21 : i32
    scf.if %cond3A_22 {
      %broadcast_in_dim3A = vector.shape_cast %get3A_5 : vector<3712xi32> to vector<1x3712xi32>
      %add3A_112 = vector.broadcast %add3A_18 : i32 to vector<32x3712xi32>
      %add3A_113 = arith.addi %add3A_112, %iota3A : vector<32x3712xi32>
      %eq3A_114 = vector.broadcast %broadcast_in_dim3A : vector<1x3712xi32> to vector<32x3712xi32>
      %eq3A_115 = arith.cmpi eq, %eq3A_114, %add3A_113 : vector<32x3712xi32>
      %jit3A = arith.constant 1.000000e+00 : f32
      %jit3A_116 = arith.constant 0.000000e+00 : f32
      %broadcast_in_dim3A_117 = vector.broadcast %jit3A : f32 to vector<32x3712xf32>
      %broadcast_in_dim3A_118 = vector.broadcast %jit3A_116 : f32 to vector<32x3712xf32>
      %select_n3A = arith.select %eq3A_115, %broadcast_in_dim3A_117, %broadcast_in_dim3A_118 : vector<32x3712xi1>, vector<32x3712xf32>
      %get3A_119 = arith.index_cast %add3A_18 : i32 to index
      %get3A_120 = arith.constant 0 : index
      %get3A_121 = vector.load %arg6[%get3A_119, %get3A_120] : memref<544x128xf32, #tpu.memory_space<vmem>>, vector<32x128xf32>
      %dot_general3A = arith.constant dense<0.000000e+00> : vector<32x128xf32>
      %dot_general3A_122 = tpu.matmul %select_n3A, %get3A_12, %dot_general3A {dimension_numbers = #tpu.dot_dimension_numbers<[1], [0], [0], [1], [0, 0, 1, 1], [], []>, transpose_lhs_hint = false} : vector<32x3712xf32>, vector<3712x128xf32>, vector<32x128xf32> -> vector<32x128xf32>
      %add3A_123 = arith.addf %get3A_121, %dot_general3A_122 : vector<32x128xf32>
      %swap3A = arith.index_cast %add3A_18 : i32 to index
      %swap3A_124 = arith.constant 0 : index
      %swap3A_125 = vector.load %arg6[%swap3A, %swap3A_124] : memref<544x128xf32, #tpu.memory_space<vmem>>, vector<32x128xf32>
      tpu.vector_store %arg6[%swap3A, %swap3A_124], %add3A_123 {strides = array<i32>} : memref<544x128xf32, #tpu.memory_space<vmem>>, vector<32x128xf32>,
    } else {
    }
    %add3A_23 = arith.constant 64 : i32
    %add3A_24 = arith.addi %get3A_7, %add3A_23 : i32
    %le3A_25 = arith.cmpi sle, %add3A_24, %get3A_9 : i32
    %convert_element_type3A_26 = arith.extui %le3A_25 : i1 to i32
    %cond3A_27 = arith.constant 0 : i32
    %cond3A_28 = arith.cmpi ne, %convert_element_type3A_26, %cond3A_27 : i32
    scf.if %cond3A_28 {
      %broadcast_in_dim3A = vector.shape_cast %get3A_5 : vector<3712xi32> to vector<1x3712xi32>
      %add3A_112 = vector.broadcast %add3A_24 : i32 to vector<32x3712xi32>
      %add3A_113 = arith.addi %add3A_112, %iota3A : vector<32x3712xi32>
      %eq3A_114 = vector.broadcast %broadcast_in_dim3A : vector<1x3712xi32> to vector<32x3712xi32>
      %eq3A_115 = arith.cmpi eq, %eq3A_114, %add3A_113 : vector<32x3712xi32>
      %jit3A = arith.constant 1.000000e+00 : f32
      %jit3A_116 = arith.constant 0.000000e+00 : f32
      %broadcast_in_dim3A_117 = vector.broadcast %jit3A : f32 to vector<32x3712xf32>
      %broadcast_in_dim3A_118 = vector.broadcast %jit3A_116 : f32 to vector<32x3712xf32>
      %select_n3A = arith.select %eq3A_115, %broadcast_in_dim3A_117, %broadcast_in_dim3A_118 : vector<32x3712xi1>, vector<32x3712xf32>
      %get3A_119 = arith.index_cast %add3A_24 : i32 to index
      %get3A_120 = arith.constant 0 : index
      %get3A_121 = vector.load %arg6[%get3A_119, %get3A_120] : memref<544x128xf32, #tpu.memory_space<vmem>>, vector<32x128xf32>
      %dot_general3A = arith.constant dense<0.000000e+00> : vector<32x128xf32>
      %dot_general3A_122 = tpu.matmul %select_n3A, %get3A_12, %dot_general3A {dimension_numbers = #tpu.dot_dimension_numbers<[1], [0], [0], [1], [0, 0, 1, 1], [], []>, transpose_lhs_hint = false} : vector<32x3712xf32>, vector<3712x128xf32>, vector<32x128xf32> -> vector<32x128xf32>
      %add3A_123 = arith.addf %get3A_121, %dot_general3A_122 : vector<32x128xf32>
      %swap3A = arith.index_cast %add3A_24 : i32 to index
      %swap3A_124 = arith.constant 0 : index
      %swap3A_125 = vector.load %arg6[%swap3A, %swap3A_124] : memref<544x128xf32, #tpu.memory_space<vmem>>, vector<32x128xf32>
      tpu.vector_store %arg6[%swap3A, %swap3A_124], %add3A_123 {strides = array<i32>} : memref<544x128xf32, #tpu.memory_space<vmem>>, vector<32x128xf32>,
    } else {
    }
    %add3A_29 = arith.constant 96 : i32
    %add3A_30 = arith.addi %get3A_7, %add3A_29 : i32
    %le3A_31 = arith.cmpi sle, %add3A_30, %get3A_9 : i32
    %convert_element_type3A_32 = arith.extui %le3A_31 : i1 to i32
    %cond3A_33 = arith.constant 0 : i32
    %cond3A_34 = arith.cmpi ne, %convert_element_type3A_32, %cond3A_33 : i32
    scf.if %cond3A_34 {
      %broadcast_in_dim3A = vector.shape_cast %get3A_5 : vector<3712xi32> to vector<1x3712xi32>
      %add3A_112 = vector.broadcast %add3A_30 : i32 to vector<32x3712xi32>
      %add3A_113 = arith.addi %add3A_112, %iota3A : vector<32x3712xi32>
      %eq3A_114 = vector.broadcast %broadcast_in_dim3A : vector<1x3712xi32> to vector<32x3712xi32>
      %eq3A_115 = arith.cmpi eq, %eq3A_114, %add3A_113 : vector<32x3712xi32>
      %jit3A = arith.constant 1.000000e+00 : f32
      %jit3A_116 = arith.constant 0.000000e+00 : f32
      %broadcast_in_dim3A_117 = vector.broadcast %jit3A : f32 to vector<32x3712xf32>
      %broadcast_in_dim3A_118 = vector.broadcast %jit3A_116 : f32 to vector<32x3712xf32>
      %select_n3A = arith.select %eq3A_115, %broadcast_in_dim3A_117, %broadcast_in_dim3A_118 : vector<32x3712xi1>, vector<32x3712xf32>
      %get3A_119 = arith.index_cast %add3A_30 : i32 to index
      %get3A_120 = arith.constant 0 : index
      %get3A_121 = vector.load %arg6[%get3A_119, %get3A_120] : memref<544x128xf32, #tpu.memory_space<vmem>>, vector<32x128xf32>
      %dot_general3A = arith.constant dense<0.000000e+00> : vector<32x128xf32>
      %dot_general3A_122 = tpu.matmul %select_n3A, %get3A_12, %dot_general3A {dimension_numbers = #tpu.dot_dimension_numbers<[1], [0], [0], [1], [0, 0, 1, 1], [], []>, transpose_lhs_hint = false} : vector<32x3712xf32>, vector<3712x128xf32>, vector<32x128xf32> -> vector<32x128xf32>
      %add3A_123 = arith.addf %get3A_121, %dot_general3A_122 : vector<32x128xf32>
      %swap3A = arith.index_cast %add3A_30 : i32 to index
      %swap3A_124 = arith.constant 0 : index
      %swap3A_125 = vector.load %arg6[%swap3A, %swap3A_124] : memref<544x128xf32, #tpu.memory_space<vmem>>, vector<32x128xf32>
      tpu.vector_store %arg6[%swap3A, %swap3A_124], %add3A_123 {strides = array<i32>} : memref<544x128xf32, #tpu.memory_space<vmem>>, vector<32x128xf32>,
    } else {
    }
    %add3A_35 = arith.constant 128 : i32
    %add3A_36 = arith.addi %get3A_7, %add3A_35 : i32
    %le3A_37 = arith.cmpi sle, %add3A_36, %get3A_9 : i32
    %convert_element_type3A_38 = arith.extui %le3A_37 : i1 to i32
    %cond3A_39 = arith.constant 0 : i32
    %cond3A_40 = arith.cmpi ne, %convert_element_type3A_38, %cond3A_39 : i32
    scf.if %cond3A_40 {
      %broadcast_in_dim3A = vector.shape_cast %get3A_5 : vector<3712xi32> to vector<1x3712xi32>
      %add3A_112 = vector.broadcast %add3A_36 : i32 to vector<32x3712xi32>
      %add3A_113 = arith.addi %add3A_112, %iota3A : vector<32x3712xi32>
      %eq3A_114 = vector.broadcast %broadcast_in_dim3A : vector<1x3712xi32> to vector<32x3712xi32>
      %eq3A_115 = arith.cmpi eq, %eq3A_114, %add3A_113 : vector<32x3712xi32>
      %jit3A = arith.constant 1.000000e+00 : f32
      %jit3A_116 = arith.constant 0.000000e+00 : f32
      %broadcast_in_dim3A_117 = vector.broadcast %jit3A : f32 to vector<32x3712xf32>
      %broadcast_in_dim3A_118 = vector.broadcast %jit3A_116 : f32 to vector<32x3712xf32>
      %select_n3A = arith.select %eq3A_115, %broadcast_in_dim3A_117, %broadcast_in_dim3A_118 : vector<32x3712xi1>, vector<32x3712xf32>
      %get3A_119 = arith.index_cast %add3A_36 : i32 to index
      %get3A_120 = arith.constant 0 : index
      %get3A_121 = vector.load %arg6[%get3A_119, %get3A_120] : memref<544x128xf32, #tpu.memory_space<vmem>>, vector<32x128xf32>
      %dot_general3A = arith.constant dense<0.000000e+00> : vector<32x128xf32>
      %dot_general3A_122 = tpu.matmul %select_n3A, %get3A_12, %dot_general3A {dimension_numbers = #tpu.dot_dimension_numbers<[1], [0], [0], [1], [0, 0, 1, 1], [], []>, transpose_lhs_hint = false} : vector<32x3712xf32>, vector<3712x128xf32>, vector<32x128xf32> -> vector<32x128xf32>
      %add3A_123 = arith.addf %get3A_121, %dot_general3A_122 : vector<32x128xf32>
      %swap3A = arith.index_cast %add3A_36 : i32 to index
      %swap3A_124 = arith.constant 0 : index
      %swap3A_125 = vector.load %arg6[%swap3A, %swap3A_124] : memref<544x128xf32, #tpu.memory_space<vmem>>, vector<32x128xf32>
      tpu.vector_store %arg6[%swap3A, %swap3A_124], %add3A_123 {strides = array<i32>} : memref<544x128xf32, #tpu.memory_space<vmem>>, vector<32x128xf32>,
    } else {
    }
    %add3A_41 = arith.constant 160 : i32
    %add3A_42 = arith.addi %get3A_7, %add3A_41 : i32
    %le3A_43 = arith.cmpi sle, %add3A_42, %get3A_9 : i32
    %convert_element_type3A_44 = arith.extui %le3A_43 : i1 to i32
    %cond3A_45 = arith.constant 0 : i32
    %cond3A_46 = arith.cmpi ne, %convert_element_type3A_44, %cond3A_45 : i32
    scf.if %cond3A_46 {
      %broadcast_in_dim3A = vector.shape_cast %get3A_5 : vector<3712xi32> to vector<1x3712xi32>
      %add3A_112 = vector.broadcast %add3A_42 : i32 to vector<32x3712xi32>
      %add3A_113 = arith.addi %add3A_112, %iota3A : vector<32x3712xi32>
      %eq3A_114 = vector.broadcast %broadcast_in_dim3A : vector<1x3712xi32> to vector<32x3712xi32>
      %eq3A_115 = arith.cmpi eq, %eq3A_114, %add3A_113 : vector<32x3712xi32>
      %jit3A = arith.constant 1.000000e+00 : f32
      %jit3A_116 = arith.constant 0.000000e+00 : f32
      %broadcast_in_dim3A_117 = vector.broadcast %jit3A : f32 to vector<32x3712xf32>
      %broadcast_in_dim3A_118 = vector.broadcast %jit3A_116 : f32 to vector<32x3712xf32>
      %select_n3A = arith.select %eq3A_115, %broadcast_in_dim3A_117, %broadcast_in_dim3A_118 : vector<32x3712xi1>, vector<32x3712xf32>
      %get3A_119 = arith.index_cast %add3A_42 : i32 to index
      %get3A_120 = arith.constant 0 : index
      %get3A_121 = vector.load %arg6[%get3A_119, %get3A_120] : memref<544x128xf32, #tpu.memory_space<vmem>>, vector<32x128xf32>
      %dot_general3A = arith.constant dense<0.000000e+00> : vector<32x128xf32>
      %dot_general3A_122 = tpu.matmul %select_n3A, %get3A_12, %dot_general3A {dimension_numbers = #tpu.dot_dimension_numbers<[1], [0], [0], [1], [0, 0, 1, 1], [], []>, transpose_lhs_hint = false} : vector<32x3712xf32>, vector<3712x128xf32>, vector<32x128xf32> -> vector<32x128xf32>
      %add3A_123 = arith.addf %get3A_121, %dot_general3A_122 : vector<32x128xf32>
      %swap3A = arith.index_cast %add3A_42 : i32 to index
      %swap3A_124 = arith.constant 0 : index
      %swap3A_125 = vector.load %arg6[%swap3A, %swap3A_124] : memref<544x128xf32, #tpu.memory_space<vmem>>, vector<32x128xf32>
      tpu.vector_store %arg6[%swap3A, %swap3A_124], %add3A_123 {strides = array<i32>} : memref<544x128xf32, #tpu.memory_space<vmem>>, vector<32x128xf32>,
    } else {
    }
    %add3A_47 = arith.constant 192 : i32
    %add3A_48 = arith.addi %get3A_7, %add3A_47 : i32
    %le3A_49 = arith.cmpi sle, %add3A_48, %get3A_9 : i32
    %convert_element_type3A_50 = arith.extui %le3A_49 : i1 to i32
    %cond3A_51 = arith.constant 0 : i32
    %cond3A_52 = arith.cmpi ne, %convert_element_type3A_50, %cond3A_51 : i32
    scf.if %cond3A_52 {
      %broadcast_in_dim3A = vector.shape_cast %get3A_5 : vector<3712xi32> to vector<1x3712xi32>
      %add3A_112 = vector.broadcast %add3A_48 : i32 to vector<32x3712xi32>
      %add3A_113 = arith.addi %add3A_112, %iota3A : vector<32x3712xi32>
      %eq3A_114 = vector.broadcast %broadcast_in_dim3A : vector<1x3712xi32> to vector<32x3712xi32>
      %eq3A_115 = arith.cmpi eq, %eq3A_114, %add3A_113 : vector<32x3712xi32>
      %jit3A = arith.constant 1.000000e+00 : f32
      %jit3A_116 = arith.constant 0.000000e+00 : f32
      %broadcast_in_dim3A_117 = vector.broadcast %jit3A : f32 to vector<32x3712xf32>
      %broadcast_in_dim3A_118 = vector.broadcast %jit3A_116 : f32 to vector<32x3712xf32>
      %select_n3A = arith.select %eq3A_115, %broadcast_in_dim3A_117, %broadcast_in_dim3A_118 : vector<32x3712xi1>, vector<32x3712xf32>
      %get3A_119 = arith.index_cast %add3A_48 : i32 to index
      %get3A_120 = arith.constant 0 : index
      %get3A_121 = vector.load %arg6[%get3A_119, %get3A_120] : memref<544x128xf32, #tpu.memory_space<vmem>>, vector<32x128xf32>
      %dot_general3A = arith.constant dense<0.000000e+00> : vector<32x128xf32>
      %dot_general3A_122 = tpu.matmul %select_n3A, %get3A_12, %dot_general3A {dimension_numbers = #tpu.dot_dimension_numbers<[1], [0], [0], [1], [0, 0, 1, 1], [], []>, transpose_lhs_hint = false} : vector<32x3712xf32>, vector<3712x128xf32>, vector<32x128xf32> -> vector<32x128xf32>
      %add3A_123 = arith.addf %get3A_121, %dot_general3A_122 : vector<32x128xf32>
      %swap3A = arith.index_cast %add3A_48 : i32 to index
      %swap3A_124 = arith.constant 0 : index
      %swap3A_125 = vector.load %arg6[%swap3A, %swap3A_124] : memref<544x128xf32, #tpu.memory_space<vmem>>, vector<32x128xf32>
      tpu.vector_store %arg6[%swap3A, %swap3A_124], %add3A_123 {strides = array<i32>} : memref<544x128xf32, #tpu.memory_space<vmem>>, vector<32x128xf32>,
    } else {
    }
    %add3A_53 = arith.constant 224 : i32
    %add3A_54 = arith.addi %get3A_7, %add3A_53 : i32
    %le3A_55 = arith.cmpi sle, %add3A_54, %get3A_9 : i32
    %convert_element_type3A_56 = arith.extui %le3A_55 : i1 to i32
    %cond3A_57 = arith.constant 0 : i32
    %cond3A_58 = arith.cmpi ne, %convert_element_type3A_56, %cond3A_57 : i32
    scf.if %cond3A_58 {
      %broadcast_in_dim3A = vector.shape_cast %get3A_5 : vector<3712xi32> to vector<1x3712xi32>
      %add3A_112 = vector.broadcast %add3A_54 : i32 to vector<32x3712xi32>
      %add3A_113 = arith.addi %add3A_112, %iota3A : vector<32x3712xi32>
      %eq3A_114 = vector.broadcast %broadcast_in_dim3A : vector<1x3712xi32> to vector<32x3712xi32>
      %eq3A_115 = arith.cmpi eq, %eq3A_114, %add3A_113 : vector<32x3712xi32>
      %jit3A = arith.constant 1.000000e+00 : f32
      %jit3A_116 = arith.constant 0.000000e+00 : f32
      %broadcast_in_dim3A_117 = vector.broadcast %jit3A : f32 to vector<32x3712xf32>
      %broadcast_in_dim3A_118 = vector.broadcast %jit3A_116 : f32 to vector<32x3712xf32>
      %select_n3A = arith.select %eq3A_115, %broadcast_in_dim3A_117, %broadcast_in_dim3A_118 : vector<32x3712xi1>, vector<32x3712xf32>
      %get3A_119 = arith.index_cast %add3A_54 : i32 to index
      %get3A_120 = arith.constant 0 : index
      %get3A_121 = vector.load %arg6[%get3A_119, %get3A_120] : memref<544x128xf32, #tpu.memory_space<vmem>>, vector<32x128xf32>
      %dot_general3A = arith.constant dense<0.000000e+00> : vector<32x128xf32>
      %dot_general3A_122 = tpu.matmul %select_n3A, %get3A_12, %dot_general3A {dimension_numbers = #tpu.dot_dimension_numbers<[1], [0], [0], [1], [0, 0, 1, 1], [], []>, transpose_lhs_hint = false} : vector<32x3712xf32>, vector<3712x128xf32>, vector<32x128xf32> -> vector<32x128xf32>
      %add3A_123 = arith.addf %get3A_121, %dot_general3A_122 : vector<32x128xf32>
      %swap3A = arith.index_cast %add3A_54 : i32 to index
      %swap3A_124 = arith.constant 0 : index
      %swap3A_125 = vector.load %arg6[%swap3A, %swap3A_124] : memref<544x128xf32, #tpu.memory_space<vmem>>, vector<32x128xf32>
      tpu.vector_store %arg6[%swap3A, %swap3A_124], %add3A_123 {strides = array<i32>} : memref<544x128xf32, #tpu.memory_space<vmem>>, vector<32x128xf32>,
    } else {
    }
    %add3A_59 = arith.constant 256 : i32
    %add3A_60 = arith.addi %get3A_7, %add3A_59 : i32
    %le3A_61 = arith.cmpi sle, %add3A_60, %get3A_9 : i32
    %convert_element_type3A_62 = arith.extui %le3A_61 : i1 to i32
    %cond3A_63 = arith.constant 0 : i32
    %cond3A_64 = arith.cmpi ne, %convert_element_type3A_62, %cond3A_63 : i32
    scf.if %cond3A_64 {
      %broadcast_in_dim3A = vector.shape_cast %get3A_5 : vector<3712xi32> to vector<1x3712xi32>
      %add3A_112 = vector.broadcast %add3A_60 : i32 to vector<32x3712xi32>
      %add3A_113 = arith.addi %add3A_112, %iota3A : vector<32x3712xi32>
      %eq3A_114 = vector.broadcast %broadcast_in_dim3A : vector<1x3712xi32> to vector<32x3712xi32>
      %eq3A_115 = arith.cmpi eq, %eq3A_114, %add3A_113 : vector<32x3712xi32>
      %jit3A = arith.constant 1.000000e+00 : f32
      %jit3A_116 = arith.constant 0.000000e+00 : f32
      %broadcast_in_dim3A_117 = vector.broadcast %jit3A : f32 to vector<32x3712xf32>
      %broadcast_in_dim3A_118 = vector.broadcast %jit3A_116 : f32 to vector<32x3712xf32>
      %select_n3A = arith.select %eq3A_115, %broadcast_in_dim3A_117, %broadcast_in_dim3A_118 : vector<32x3712xi1>, vector<32x3712xf32>
      %get3A_119 = arith.index_cast %add3A_60 : i32 to index
      %get3A_120 = arith.constant 0 : index
      %get3A_121 = vector.load %arg6[%get3A_119, %get3A_120] : memref<544x128xf32, #tpu.memory_space<vmem>>, vector<32x128xf32>
      %dot_general3A = arith.constant dense<0.000000e+00> : vector<32x128xf32>
      %dot_general3A_122 = tpu.matmul %select_n3A, %get3A_12, %dot_general3A {dimension_numbers = #tpu.dot_dimension_numbers<[1], [0], [0], [1], [0, 0, 1, 1], [], []>, transpose_lhs_hint = false} : vector<32x3712xf32>, vector<3712x128xf32>, vector<32x128xf32> -> vector<32x128xf32>
      %add3A_123 = arith.addf %get3A_121, %dot_general3A_122 : vector<32x128xf32>
      %swap3A = arith.index_cast %add3A_60 : i32 to index
      %swap3A_124 = arith.constant 0 : index
      %swap3A_125 = vector.load %arg6[%swap3A, %swap3A_124] : memref<544x128xf32, #tpu.memory_space<vmem>>, vector<32x128xf32>
      tpu.vector_store %arg6[%swap3A, %swap3A_124], %add3A_123 {strides = array<i32>} : memref<544x128xf32, #tpu.memory_space<vmem>>, vector<32x128xf32>,
    } else {
    }
    %add3A_65 = arith.constant 288 : i32
    %add3A_66 = arith.addi %get3A_7, %add3A_65 : i32
    %le3A_67 = arith.cmpi sle, %add3A_66, %get3A_9 : i32
    %convert_element_type3A_68 = arith.extui %le3A_67 : i1 to i32
    %cond3A_69 = arith.constant 0 : i32
    %cond3A_70 = arith.cmpi ne, %convert_element_type3A_68, %cond3A_69 : i32
    scf.if %cond3A_70 {
      %broadcast_in_dim3A = vector.shape_cast %get3A_5 : vector<3712xi32> to vector<1x3712xi32>
      %add3A_112 = vector.broadcast %add3A_66 : i32 to vector<32x3712xi32>
      %add3A_113 = arith.addi %add3A_112, %iota3A : vector<32x3712xi32>
      %eq3A_114 = vector.broadcast %broadcast_in_dim3A : vector<1x3712xi32> to vector<32x3712xi32>
      %eq3A_115 = arith.cmpi eq, %eq3A_114, %add3A_113 : vector<32x3712xi32>
      %jit3A = arith.constant 1.000000e+00 : f32
      %jit3A_116 = arith.constant 0.000000e+00 : f32
      %broadcast_in_dim3A_117 = vector.broadcast %jit3A : f32 to vector<32x3712xf32>
      %broadcast_in_dim3A_118 = vector.broadcast %jit3A_116 : f32 to vector<32x3712xf32>
      %select_n3A = arith.select %eq3A_115, %broadcast_in_dim3A_117, %broadcast_in_dim3A_118 : vector<32x3712xi1>, vector<32x3712xf32>
      %get3A_119 = arith.index_cast %add3A_66 : i32 to index
      %get3A_120 = arith.constant 0 : index
      %get3A_121 = vector.load %arg6[%get3A_119, %get3A_120] : memref<544x128xf32, #tpu.memory_space<vmem>>, vector<32x128xf32>
      %dot_general3A = arith.constant dense<0.000000e+00> : vector<32x128xf32>
      %dot_general3A_122 = tpu.matmul %select_n3A, %get3A_12, %dot_general3A {dimension_numbers = #tpu.dot_dimension_numbers<[1], [0], [0], [1], [0, 0, 1, 1], [], []>, transpose_lhs_hint = false} : vector<32x3712xf32>, vector<3712x128xf32>, vector<32x128xf32> -> vector<32x128xf32>
      %add3A_123 = arith.addf %get3A_121, %dot_general3A_122 : vector<32x128xf32>
      %swap3A = arith.index_cast %add3A_66 : i32 to index
      %swap3A_124 = arith.constant 0 : index
      %swap3A_125 = vector.load %arg6[%swap3A, %swap3A_124] : memref<544x128xf32, #tpu.memory_space<vmem>>, vector<32x128xf32>
      tpu.vector_store %arg6[%swap3A, %swap3A_124], %add3A_123 {strides = array<i32>} : memref<544x128xf32, #tpu.memory_space<vmem>>, vector<32x128xf32>,
    } else {
    }
    %add3A_71 = arith.constant 320 : i32
    %add3A_72 = arith.addi %get3A_7, %add3A_71 : i32
    %le3A_73 = arith.cmpi sle, %add3A_72, %get3A_9 : i32
    %convert_element_type3A_74 = arith.extui %le3A_73 : i1 to i32
    %cond3A_75 = arith.constant 0 : i32
    %cond3A_76 = arith.cmpi ne, %convert_element_type3A_74, %cond3A_75 : i32
    scf.if %cond3A_76 {
      %broadcast_in_dim3A = vector.shape_cast %get3A_5 : vector<3712xi32> to vector<1x3712xi32>
      %add3A_112 = vector.broadcast %add3A_72 : i32 to vector<32x3712xi32>
      %add3A_113 = arith.addi %add3A_112, %iota3A : vector<32x3712xi32>
      %eq3A_114 = vector.broadcast %broadcast_in_dim3A : vector<1x3712xi32> to vector<32x3712xi32>
      %eq3A_115 = arith.cmpi eq, %eq3A_114, %add3A_113 : vector<32x3712xi32>
      %jit3A = arith.constant 1.000000e+00 : f32
      %jit3A_116 = arith.constant 0.000000e+00 : f32
      %broadcast_in_dim3A_117 = vector.broadcast %jit3A : f32 to vector<32x3712xf32>
      %broadcast_in_dim3A_118 = vector.broadcast %jit3A_116 : f32 to vector<32x3712xf32>
      %select_n3A = arith.select %eq3A_115, %broadcast_in_dim3A_117, %broadcast_in_dim3A_118 : vector<32x3712xi1>, vector<32x3712xf32>
      %get3A_119 = arith.index_cast %add3A_72 : i32 to index
      %get3A_120 = arith.constant 0 : index
      %get3A_121 = vector.load %arg6[%get3A_119, %get3A_120] : memref<544x128xf32, #tpu.memory_space<vmem>>, vector<32x128xf32>
      %dot_general3A = arith.constant dense<0.000000e+00> : vector<32x128xf32>
      %dot_general3A_122 = tpu.matmul %select_n3A, %get3A_12, %dot_general3A {dimension_numbers = #tpu.dot_dimension_numbers<[1], [0], [0], [1], [0, 0, 1, 1], [], []>, transpose_lhs_hint = false} : vector<32x3712xf32>, vector<3712x128xf32>, vector<32x128xf32> -> vector<32x128xf32>
      %add3A_123 = arith.addf %get3A_121, %dot_general3A_122 : vector<32x128xf32>
      %swap3A = arith.index_cast %add3A_72 : i32 to index
      %swap3A_124 = arith.constant 0 : index
      %swap3A_125 = vector.load %arg6[%swap3A, %swap3A_124] : memref<544x128xf32, #tpu.memory_space<vmem>>, vector<32x128xf32>
      tpu.vector_store %arg6[%swap3A, %swap3A_124], %add3A_123 {strides = array<i32>} : memref<544x128xf32, #tpu.memory_space<vmem>>, vector<32x128xf32>,
    } else {
    }
    %add3A_77 = arith.constant 352 : i32
    %add3A_78 = arith.addi %get3A_7, %add3A_77 : i32
    %le3A_79 = arith.cmpi sle, %add3A_78, %get3A_9 : i32
    %convert_element_type3A_80 = arith.extui %le3A_79 : i1 to i32
    %cond3A_81 = arith.constant 0 : i32
    %cond3A_82 = arith.cmpi ne, %convert_element_type3A_80, %cond3A_81 : i32
    scf.if %cond3A_82 {
      %broadcast_in_dim3A = vector.shape_cast %get3A_5 : vector<3712xi32> to vector<1x3712xi32>
      %add3A_112 = vector.broadcast %add3A_78 : i32 to vector<32x3712xi32>
      %add3A_113 = arith.addi %add3A_112, %iota3A : vector<32x3712xi32>
      %eq3A_114 = vector.broadcast %broadcast_in_dim3A : vector<1x3712xi32> to vector<32x3712xi32>
      %eq3A_115 = arith.cmpi eq, %eq3A_114, %add3A_113 : vector<32x3712xi32>
      %jit3A = arith.constant 1.000000e+00 : f32
      %jit3A_116 = arith.constant 0.000000e+00 : f32
      %broadcast_in_dim3A_117 = vector.broadcast %jit3A : f32 to vector<32x3712xf32>
      %broadcast_in_dim3A_118 = vector.broadcast %jit3A_116 : f32 to vector<32x3712xf32>
      %select_n3A = arith.select %eq3A_115, %broadcast_in_dim3A_117, %broadcast_in_dim3A_118 : vector<32x3712xi1>, vector<32x3712xf32>
      %get3A_119 = arith.index_cast %add3A_78 : i32 to index
      %get3A_120 = arith.constant 0 : index
      %get3A_121 = vector.load %arg6[%get3A_119, %get3A_120] : memref<544x128xf32, #tpu.memory_space<vmem>>, vector<32x128xf32>
      %dot_general3A = arith.constant dense<0.000000e+00> : vector<32x128xf32>
      %dot_general3A_122 = tpu.matmul %select_n3A, %get3A_12, %dot_general3A {dimension_numbers = #tpu.dot_dimension_numbers<[1], [0], [0], [1], [0, 0, 1, 1], [], []>, transpose_lhs_hint = false} : vector<32x3712xf32>, vector<3712x128xf32>, vector<32x128xf32> -> vector<32x128xf32>
      %add3A_123 = arith.addf %get3A_121, %dot_general3A_122 : vector<32x128xf32>
      %swap3A = arith.index_cast %add3A_78 : i32 to index
      %swap3A_124 = arith.constant 0 : index
      %swap3A_125 = vector.load %arg6[%swap3A, %swap3A_124] : memref<544x128xf32, #tpu.memory_space<vmem>>, vector<32x128xf32>
      tpu.vector_store %arg6[%swap3A, %swap3A_124], %add3A_123 {strides = array<i32>} : memref<544x128xf32, #tpu.memory_space<vmem>>, vector<32x128xf32>,
    } else {
    }
    %add3A_83 = arith.constant 384 : i32
    %add3A_84 = arith.addi %get3A_7, %add3A_83 : i32
    %le3A_85 = arith.cmpi sle, %add3A_84, %get3A_9 : i32
    %convert_element_type3A_86 = arith.extui %le3A_85 : i1 to i32
    %cond3A_87 = arith.constant 0 : i32
    %cond3A_88 = arith.cmpi ne, %convert_element_type3A_86, %cond3A_87 : i32
    scf.if %cond3A_88 {
      %broadcast_in_dim3A = vector.shape_cast %get3A_5 : vector<3712xi32> to vector<1x3712xi32>
      %add3A_112 = vector.broadcast %add3A_84 : i32 to vector<32x3712xi32>
      %add3A_113 = arith.addi %add3A_112, %iota3A : vector<32x3712xi32>
      %eq3A_114 = vector.broadcast %broadcast_in_dim3A : vector<1x3712xi32> to vector<32x3712xi32>
      %eq3A_115 = arith.cmpi eq, %eq3A_114, %add3A_113 : vector<32x3712xi32>
      %jit3A = arith.constant 1.000000e+00 : f32
      %jit3A_116 = arith.constant 0.000000e+00 : f32
      %broadcast_in_dim3A_117 = vector.broadcast %jit3A : f32 to vector<32x3712xf32>
      %broadcast_in_dim3A_118 = vector.broadcast %jit3A_116 : f32 to vector<32x3712xf32>
      %select_n3A = arith.select %eq3A_115, %broadcast_in_dim3A_117, %broadcast_in_dim3A_118 : vector<32x3712xi1>, vector<32x3712xf32>
      %get3A_119 = arith.index_cast %add3A_84 : i32 to index
      %get3A_120 = arith.constant 0 : index
      %get3A_121 = vector.load %arg6[%get3A_119, %get3A_120] : memref<544x128xf32, #tpu.memory_space<vmem>>, vector<32x128xf32>
      %dot_general3A = arith.constant dense<0.000000e+00> : vector<32x128xf32>
      %dot_general3A_122 = tpu.matmul %select_n3A, %get3A_12, %dot_general3A {dimension_numbers = #tpu.dot_dimension_numbers<[1], [0], [0], [1], [0, 0, 1, 1], [], []>, transpose_lhs_hint = false} : vector<32x3712xf32>, vector<3712x128xf32>, vector<32x128xf32> -> vector<32x128xf32>
      %add3A_123 = arith.addf %get3A_121, %dot_general3A_122 : vector<32x128xf32>
      %swap3A = arith.index_cast %add3A_84 : i32 to index
      %swap3A_124 = arith.constant 0 : index
      %swap3A_125 = vector.load %arg6[%swap3A, %swap3A_124] : memref<544x128xf32, #tpu.memory_space<vmem>>, vector<32x128xf32>
      tpu.vector_store %arg6[%swap3A, %swap3A_124], %add3A_123 {strides = array<i32>} : memref<544x128xf32, #tpu.memory_space<vmem>>, vector<32x128xf32>,
    } else {
    }
    %add3A_89 = arith.constant 416 : i32
    %add3A_90 = arith.addi %get3A_7, %add3A_89 : i32
    %le3A_91 = arith.cmpi sle, %add3A_90, %get3A_9 : i32
    %convert_element_type3A_92 = arith.extui %le3A_91 : i1 to i32
    %cond3A_93 = arith.constant 0 : i32
    %cond3A_94 = arith.cmpi ne, %convert_element_type3A_92, %cond3A_93 : i32
    scf.if %cond3A_94 {
      %broadcast_in_dim3A = vector.shape_cast %get3A_5 : vector<3712xi32> to vector<1x3712xi32>
      %add3A_112 = vector.broadcast %add3A_90 : i32 to vector<32x3712xi32>
      %add3A_113 = arith.addi %add3A_112, %iota3A : vector<32x3712xi32>
      %eq3A_114 = vector.broadcast %broadcast_in_dim3A : vector<1x3712xi32> to vector<32x3712xi32>
      %eq3A_115 = arith.cmpi eq, %eq3A_114, %add3A_113 : vector<32x3712xi32>
      %jit3A = arith.constant 1.000000e+00 : f32
      %jit3A_116 = arith.constant 0.000000e+00 : f32
      %broadcast_in_dim3A_117 = vector.broadcast %jit3A : f32 to vector<32x3712xf32>
      %broadcast_in_dim3A_118 = vector.broadcast %jit3A_116 : f32 to vector<32x3712xf32>
      %select_n3A = arith.select %eq3A_115, %broadcast_in_dim3A_117, %broadcast_in_dim3A_118 : vector<32x3712xi1>, vector<32x3712xf32>
      %get3A_119 = arith.index_cast %add3A_90 : i32 to index
      %get3A_120 = arith.constant 0 : index
      %get3A_121 = vector.load %arg6[%get3A_119, %get3A_120] : memref<544x128xf32, #tpu.memory_space<vmem>>, vector<32x128xf32>
      %dot_general3A = arith.constant dense<0.000000e+00> : vector<32x128xf32>
      %dot_general3A_122 = tpu.matmul %select_n3A, %get3A_12, %dot_general3A {dimension_numbers = #tpu.dot_dimension_numbers<[1], [0], [0], [1], [0, 0, 1, 1], [], []>, transpose_lhs_hint = false} : vector<32x3712xf32>, vector<3712x128xf32>, vector<32x128xf32> -> vector<32x128xf32>
      %add3A_123 = arith.addf %get3A_121, %dot_general3A_122 : vector<32x128xf32>
      %swap3A = arith.index_cast %add3A_90 : i32 to index
      %swap3A_124 = arith.constant 0 : index
      %swap3A_125 = vector.load %arg6[%swap3A, %swap3A_124] : memref<544x128xf32, #tpu.memory_space<vmem>>, vector<32x128xf32>
      tpu.vector_store %arg6[%swap3A, %swap3A_124], %add3A_123 {strides = array<i32>} : memref<544x128xf32, #tpu.memory_space<vmem>>, vector<32x128xf32>,
    } else {
    }
    %add3A_95 = arith.constant 448 : i32
    %add3A_96 = arith.addi %get3A_7, %add3A_95 : i32
    %le3A_97 = arith.cmpi sle, %add3A_96, %get3A_9 : i32
    %convert_element_type3A_98 = arith.extui %le3A_97 : i1 to i32
    %cond3A_99 = arith.constant 0 : i32
    %cond3A_100 = arith.cmpi ne, %convert_element_type3A_98, %cond3A_99 : i32
    scf.if %cond3A_100 {
      %broadcast_in_dim3A = vector.shape_cast %get3A_5 : vector<3712xi32> to vector<1x3712xi32>
      %add3A_112 = vector.broadcast %add3A_96 : i32 to vector<32x3712xi32>
      %add3A_113 = arith.addi %add3A_112, %iota3A : vector<32x3712xi32>
      %eq3A_114 = vector.broadcast %broadcast_in_dim3A : vector<1x3712xi32> to vector<32x3712xi32>
      %eq3A_115 = arith.cmpi eq, %eq3A_114, %add3A_113 : vector<32x3712xi32>
      %jit3A = arith.constant 1.000000e+00 : f32
      %jit3A_116 = arith.constant 0.000000e+00 : f32
      %broadcast_in_dim3A_117 = vector.broadcast %jit3A : f32 to vector<32x3712xf32>
      %broadcast_in_dim3A_118 = vector.broadcast %jit3A_116 : f32 to vector<32x3712xf32>
      %select_n3A = arith.select %eq3A_115, %broadcast_in_dim3A_117, %broadcast_in_dim3A_118 : vector<32x3712xi1>, vector<32x3712xf32>
      %get3A_119 = arith.index_cast %add3A_96 : i32 to index
      %get3A_120 = arith.constant 0 : index
      %get3A_121 = vector.load %arg6[%get3A_119, %get3A_120] : memref<544x128xf32, #tpu.memory_space<vmem>>, vector<32x128xf32>
      %dot_general3A = arith.constant dense<0.000000e+00> : vector<32x128xf32>
      %dot_general3A_122 = tpu.matmul %select_n3A, %get3A_12, %dot_general3A {dimension_numbers = #tpu.dot_dimension_numbers<[1], [0], [0], [1], [0, 0, 1, 1], [], []>, transpose_lhs_hint = false} : vector<32x3712xf32>, vector<3712x128xf32>, vector<32x128xf32> -> vector<32x128xf32>
      %add3A_123 = arith.addf %get3A_121, %dot_general3A_122 : vector<32x128xf32>
      %swap3A = arith.index_cast %add3A_96 : i32 to index
      %swap3A_124 = arith.constant 0 : index
      %swap3A_125 = vector.load %arg6[%swap3A, %swap3A_124] : memref<544x128xf32, #tpu.memory_space<vmem>>, vector<32x128xf32>
      tpu.vector_store %arg6[%swap3A, %swap3A_124], %add3A_123 {strides = array<i32>} : memref<544x128xf32, #tpu.memory_space<vmem>>, vector<32x128xf32>,
    } else {
    }
    %add3A_101 = arith.constant 480 : i32
    %add3A_102 = arith.addi %get3A_7, %add3A_101 : i32
    %le3A_103 = arith.cmpi sle, %add3A_102, %get3A_9 : i32
    %convert_element_type3A_104 = arith.extui %le3A_103 : i1 to i32
    %cond3A_105 = arith.constant 0 : i32
    %cond3A_106 = arith.cmpi ne, %convert_element_type3A_104, %cond3A_105 : i32
    scf.if %cond3A_106 {
      %broadcast_in_dim3A = vector.shape_cast %get3A_5 : vector<3712xi32> to vector<1x3712xi32>
      %add3A_112 = vector.broadcast %add3A_102 : i32 to vector<32x3712xi32>
      %add3A_113 = arith.addi %add3A_112, %iota3A : vector<32x3712xi32>
      %eq3A_114 = vector.broadcast %broadcast_in_dim3A : vector<1x3712xi32> to vector<32x3712xi32>
      %eq3A_115 = arith.cmpi eq, %eq3A_114, %add3A_113 : vector<32x3712xi32>
      %jit3A = arith.constant 1.000000e+00 : f32
      %jit3A_116 = arith.constant 0.000000e+00 : f32
      %broadcast_in_dim3A_117 = vector.broadcast %jit3A : f32 to vector<32x3712xf32>
      %broadcast_in_dim3A_118 = vector.broadcast %jit3A_116 : f32 to vector<32x3712xf32>
      %select_n3A = arith.select %eq3A_115, %broadcast_in_dim3A_117, %broadcast_in_dim3A_118 : vector<32x3712xi1>, vector<32x3712xf32>
      %get3A_119 = arith.index_cast %add3A_102 : i32 to index
      %get3A_120 = arith.constant 0 : index
      %get3A_121 = vector.load %arg6[%get3A_119, %get3A_120] : memref<544x128xf32, #tpu.memory_space<vmem>>, vector<32x128xf32>
      %dot_general3A = arith.constant dense<0.000000e+00> : vector<32x128xf32>
      %dot_general3A_122 = tpu.matmul %select_n3A, %get3A_12, %dot_general3A {dimension_numbers = #tpu.dot_dimension_numbers<[1], [0], [0], [1], [0, 0, 1, 1], [], []>, transpose_lhs_hint = false} : vector<32x3712xf32>, vector<3712x128xf32>, vector<32x128xf32> -> vector<32x128xf32>
      %add3A_123 = arith.addf %get3A_121, %dot_general3A_122 : vector<32x128xf32>
      %swap3A = arith.index_cast %add3A_102 : i32 to index
      %swap3A_124 = arith.constant 0 : index
      %swap3A_125 = vector.load %arg6[%swap3A, %swap3A_124] : memref<544x128xf32, #tpu.memory_space<vmem>>, vector<32x128xf32>
      tpu.vector_store %arg6[%swap3A, %swap3A_124], %add3A_123 {strides = array<i32>} : memref<544x128xf32, #tpu.memory_space<vmem>>, vector<32x128xf32>,
    } else {
    }
    %eq3A_107 = arith.constant 16 : i32
    %eq3A_108 = arith.cmpi eq, %arg0, %eq3A_107 : i32
    %convert_element_type3A_109 = arith.extui %eq3A_108 : i1 to i32
    %cond3A_110 = arith.constant 0 : i32
    %cond3A_111 = arith.cmpi ne, %convert_element_type3A_109, %cond3A_110 : i32
    scf.if %cond3A_111 {
      %get3A_112 = arith.constant 0 : index
      %get3A_113 = arith.constant 0 : index
      %get3A_114 = vector.load %arg6[%get3A_112, %get3A_113] : memref<544x128xf32, #tpu.memory_space<vmem>>, vector<512x128xf32>
      %swap3A = arith.constant 0 : index
      %swap3A_115 = arith.constant 0 : index
      %swap3A_116 = vector.load %arg5[%swap3A, %swap3A_115] : memref<512x128xf32, #tpu.memory_space<vmem>>, vector<512x128xf32>
      tpu.vector_store %arg5[%swap3A, %swap3A_115], %get3A_114 {strides = array<i32>} : memref<512x128xf32, #tpu.memory_space<vmem>>, vector<512x128xf32>,
    } else {
    }
    return
  }
  func.func @transform_0(%arg0: i32, %arg1: memref<17xi32, #tpu.memory_space<smem>>, %arg2: memref<17xi32, #tpu.memory_space<smem>>) -> (i32, i32, i32) {
    %c0_i32 = arith.constant 0 : i32
    %c0_i32_0 = arith.constant 0 : i32
    %c0_i32_1 = arith.constant 0 : i32
    return %arg0, %c0_i32, %c0_i32_0 : i32, i32, i32
  }
  func.func @transform_1(%arg0: i32, %arg1: memref<17xi32, #tpu.memory_space<smem>>, %arg2: memref<17xi32, #tpu.memory_space<smem>>) -> (i32, i32) {
    %c0_i32 = arith.constant 0 : i32
    %c0_i32_0 = arith.constant 0 : i32
    return %arg0, %c0_i32 : i32, i32
  }
  func.func @transform_2(%arg0: i32, %arg1: memref<17xi32, #tpu.memory_space<smem>>, %arg2: memref<17xi32, #tpu.memory_space<smem>>) -> (i32, i32) {
    %c0_i32 = arith.constant 0 : i32
    %c0_i32_0 = arith.constant 0 : i32
    %c0_i32_1 = arith.constant 0 : i32
    return %c0_i32, %c0_i32_0 : i32, i32
  }
}

module attributes {stable_mosaic.version = 14 : i64} {
  func.func @_mlp_body(%arg0: memref<1024x128xf32, #tpu.memory_space<vmem>>, %arg1: memref<512x128xf32, #tpu.memory_space<vmem>>, %arg2: memref<128x128xf32, #tpu.memory_space<vmem>>, %arg3: memref<1x128xf32, #tpu.memory_space<vmem>>, %arg4: memref<128x10xf32, #tpu.memory_space<vmem>>, %arg5: memref<1x10xf32, #tpu.memory_space<vmem>>, %arg6: memref<512x10xf32, #tpu.memory_space<vmem>>) attributes {dimension_semantics = [], scalar_prefetch = 0 : i64, scratch_operands = 0 : i64, tpu.core_type = #tpu.core_type<tc>} {
    %get3A = arith.constant 0 : index
    %get3A_0 = arith.constant 0 : index
    %get3A_1 = vector.load %arg0[%get3A, %get3A_0] : memref<1024x128xf32, #tpu.memory_space<vmem>>, vector<512x128xf32>
    %get3A_2 = arith.constant 512 : index
    %get3A_3 = arith.constant 0 : index
    %get3A_4 = vector.load %arg0[%get3A_2, %get3A_3] : memref<1024x128xf32, #tpu.memory_space<vmem>>, vector<512x128xf32>
    %add3A = arith.addf %get3A_1, %get3A_4 : vector<512x128xf32>
    %get3A_5 = arith.constant 0 : index
    %get3A_6 = arith.constant 0 : index
    %get3A_7 = vector.load %arg1[%get3A_5, %get3A_6] : memref<512x128xf32, #tpu.memory_space<vmem>>, vector<512x128xf32>
    %add3A_8 = arith.addf %add3A, %get3A_7 : vector<512x128xf32>
    %get3A_9 = arith.constant 0 : index
    %get3A_10 = arith.constant 0 : index
    %get3A_11 = vector.load %arg2[%get3A_9, %get3A_10] : memref<128x128xf32, #tpu.memory_space<vmem>>, vector<128x128xf32>
    %dot_general3A = arith.constant dense<0.000000e+00> : vector<512x128xf32>
    %dot_general3A_12 = tpu.matmul %add3A_8, %get3A_11, %dot_general3A {dimension_numbers = #tpu.dot_dimension_numbers<[1], [0], [0], [1], [0, 0, 1, 1], [], []>, transpose_lhs_hint = false} : vector<512x128xf32>, vector<128x128xf32>, vector<512x128xf32> -> vector<512x128xf32>
    %get3A_13 = arith.constant 0 : index
    %get3A_14 = arith.constant 0 : index
    %get3A_15 = vector.load %arg3[%get3A_13, %get3A_14] : memref<1x128xf32, #tpu.memory_space<vmem>>, vector<1x128xf32>
    %add3A_16 = vector.broadcast %get3A_15 : vector<1x128xf32> to vector<512x128xf32>
    %add3A_17 = arith.addf %dot_general3A_12, %add3A_16 : vector<512x128xf32>
    %max3A = arith.constant 0.000000e+00 : f32
    %max3A_18 = vector.broadcast %max3A : f32 to vector<512x128xf32>
    %max3A_19 = arith.maximumf %add3A_17, %max3A_18 : vector<512x128xf32>
    %get3A_20 = arith.constant 0 : index
    %get3A_21 = arith.constant 0 : index
    %get3A_22 = vector.load %arg4[%get3A_20, %get3A_21] : memref<128x10xf32, #tpu.memory_space<vmem>>, vector<128x10xf32>
    %dot_general3A_23 = arith.constant dense<0.000000e+00> : vector<512x10xf32>
    %dot_general3A_24 = tpu.matmul %max3A_19, %get3A_22, %dot_general3A_23 {dimension_numbers = #tpu.dot_dimension_numbers<[1], [0], [0], [1], [0, 0, 1, 1], [], []>, transpose_lhs_hint = false} : vector<512x128xf32>, vector<128x10xf32>, vector<512x10xf32> -> vector<512x10xf32>
    %get3A_25 = arith.constant 0 : index
    %get3A_26 = arith.constant 0 : index
    %get3A_27 = vector.load %arg5[%get3A_25, %get3A_26] : memref<1x10xf32, #tpu.memory_space<vmem>>, vector<1x10xf32>
    %add3A_28 = vector.broadcast %get3A_27 : vector<1x10xf32> to vector<512x10xf32>
    %add3A_29 = arith.addf %dot_general3A_24, %add3A_28 : vector<512x10xf32>
    %reduce_max3A = arith.constant dense<0xFF800000> : vector<512xf32>
    %reduce_max3A_30 = vector.multi_reduction <maximumf>, %add3A_29, %reduce_max3A [1] : vector<512x10xf32> to vector<512xf32>
    %broadcast_in_dim3A = vector.shape_cast %reduce_max3A_30 : vector<512xf32> to vector<512x1xf32>
    %sub3A = vector.broadcast %broadcast_in_dim3A : vector<512x1xf32> to vector<512x10xf32>
    %sub3A_31 = arith.subf %add3A_29, %sub3A : vector<512x10xf32>
    %exp3A = math.exp %sub3A_31 : vector<512x10xf32>
    %reduce_sum3A = arith.constant dense<0.000000e+00> : vector<512xf32>
    %reduce_sum3A_32 = vector.multi_reduction <add>, %exp3A, %reduce_sum3A [1] : vector<512x10xf32> to vector<512xf32>
    %broadcast_in_dim3A_33 = vector.shape_cast %reduce_sum3A_32 : vector<512xf32> to vector<512x1xf32>
    %log3A = math.log %broadcast_in_dim3A_33 : vector<512x1xf32>
    %add3A_34 = arith.addf %log3A, %broadcast_in_dim3A : vector<512x1xf32>
    %sub3A_35 = vector.broadcast %add3A_34 : vector<512x1xf32> to vector<512x10xf32>
    %sub3A_36 = arith.subf %add3A_29, %sub3A_35 : vector<512x10xf32>
    %swap3A = arith.constant 0 : index
    %swap3A_37 = arith.constant 0 : index
    %swap3A_38 = vector.load %arg6[%swap3A, %swap3A_37] : memref<512x10xf32, #tpu.memory_space<vmem>>, vector<512x10xf32>
    tpu.vector_store %arg6[%swap3A, %swap3A_37], %sub3A_36 {strides = array<i32>} : memref<512x10xf32, #tpu.memory_space<vmem>>, vector<512x10xf32>,
    return
  }
}

</mosaic_0001>

<sc_bundles>
// kernel: kernel.5.cloned.1.call-start
scs
__scs_entry_jumppad:
0x0: {  	(pc) =	sbr.rel $0x88, $3  }
0x1: {  	(tag) =	ssettag $0x0;
	lr =	simm.s32 $0x1  }
0x2: {  	[smem:$0x3F9B] =	sst lr;
	_ =	strace $0xD0000000  }
0x3: {  	_ = 	snop  }
0x4: {  	_ = 	snop  }
0x5: {  	_ = 	snop  }
0x6: {  	_ = 	snop  }
0x7: {  	_ = 	snop  }
__scs_overlays_trampoline_lowered:
0x8: {  	[smem:$0x3FAA] =	sst s0  }
0x9: {  	[smem:$0x3FAB] =	sst s1  }
0xa: {  	[smem:$0x3FAC] =	sst s2  }
0xb: {  	[smem:$0x3FAD] =	sst s3  }
0xc: {  	[smem:$0x3FAE] =	sst s4  }
0xd: {  	[smem:$0x3FAF] =	sst s5  }
0xe: {  	[smem:$0x3FB0] =	sst s6  }
0xf: {  	[smem:$0x3FB1] =	sst s7  }
0x10: {  	[smem:$0x3FB2] =	sst s8  }
0x11: {  	[smem:$0x3FB3] =	sst s9;
	s0 =	simm.s32 @!p0 $0x0  }
0x12: {  	s1 =	sld [smem:$0x3F99];
	s0 =	simm.s32 @p0 $0x1  }
0x13: {  	[smem:$0x3FB4] =	sst s0;
	s0 =	simm.s32 @!p1 $0x0  }
0x14: {  	s2 =	sld [smem:$0x3F98];
	s0 =	simm.s32 @p1 $0x1  }
0x15: {  	[smem:$0x3FB5] =	sst s0;
	s0 =	simm.s32 @!p2 $0x0  }
0x16: {  	s3 =	sld [smem:$0x3FDB];
	s0 =	simm.s32 @p2 $0x1  }
0x17: {  	s4 =	simm.s32 $0x1BF5;
	[smem:$0x3FB7] =	sst s0  }
0x18: {  	s0 =	sld [smem:$0x3F9A];
	_ =	swait.ge [sflag:s4], $0x0  }
0x19: {  	s7 =	sld [smem:$0x3F9B]  }
0x1a: {  	s8 =	sadd.s32 $0xFFFFE003, lr  }
0x1b: {  	s9 =	sadd.s32 $0xFFFFFEF7, lr;
	s5 =	simm.s32 $0xFFFFFFFF;
	p2 =	slt.u32 s8, $0xFFFFF086  }
0x1c: {  	p1 =	slt.u32 s9, $0xF7A;
	s5 =	simm.s32 @!p2 $0x0  }
0x1d: {  	s5 =	simm.s32 @p1 $0x1;
	p0 =	seq.s32 s7, s2  }
0x1e: {  	s7 =	smul.u32 @!p0 $0xF7A, s2;
	p2 =	seq.s32 @!p0 s5, $0x0  }
0x1f: {  	s9 =	smul.u32 $0xF7A, s1;
	s8 =	simm.s32 @!p0 $0x1BF5;
	p2 =	por !p2, p0  }
0x20: {  	[sflag:s8] =	ssyncset.s32 @!p0 $0xFFFFF086;
	s6 =	sadd.s32 @!p0 s3, s7;
	s7 =	simm.s32 @!p0 $0x108  }
0x21: {  	s3 =	sadd.s32 s3, s9;
	s6 =	sadd.s32 @!p0 $0x88, s6;
	s7 =	simm.s32 @p2 $0x1082  }
0x22: {  	[simem:s7], [sflag:s8] =	dma.local @!p0 [hbm:s6], $0xF7A  }
0x23: {  	s9 =	sor.u32 $0xD0000000, s2;
	s6 =	simm.s32 $0x108;
	_ =	swait.ge @!p0 [sflag:s8], $0x0  }
0x24: {  	s3 =	sadd.s32 $0x88, s3;
	s6 =	simm.s32 @!p1 $0x1082;
	[sflag:s4] =	ssyncset.s32 $0xFFFFF086  }
0x25: {  	[simem:s6], [sflag:s4] =	dma.local [hbm:s3], $0xF7A  }
0x26: {  	[smem:$0x3F9B] =	sst s1;
	(tag) =	ssettag s2;
	_ =	strace s9  }
0x27: {  	s1 =	sld [smem:$0x3FAB]  }
0x28: {  	s2 =	sld [smem:$0x3FAC]  }
0x29: {  	s4 =	sld [smem:$0x3FAE]  }
0x2a: {  	p0 =	seq.s32 s5, $0x0;
	s5 =	sld [smem:$0x3FAF]  }
0x2b: {  	s6 =	sld [smem:$0x3FB0]  }
0x2c: {  	s7 =	sld [smem:$0x3FB1]  }
0x2d: {  	s3 =	simm.s32 $0x108;
	s8 =	sld [smem:$0x3FB2]  }
0x2e: {  	s3 =	simm.s32 @!p0 $0x1082;
	s9 =	sld [smem:$0x3FB3]  }
0x2f: {  	lr =	sadd.s32 s0, s3;
	s0 =	sld [smem:$0x3FAA]  }
0x30: {  	s3 =	sld [smem:$0x3FAD]  }
0x31: {  	[smem:$0x3FB6] =	sst s10  }
0x32: {  	s10 =	sld [smem:$0x3FB4];
	_ =	sdelay $0x3  }
0x33: {  	p0 =	seq.s32 s10, $0x1;
	s10 =	sld [smem:$0x3FB6];
	_ =	sdelay $0x3  }
0x34: {  	[smem:$0x3FB6] =	sst s10  }
0x35: {  	s10 =	sld [smem:$0x3FB5];
	_ =	sdelay $0x3  }
0x36: {  	p1 =	seq.s32 s10, $0x1;
	s10 =	sld [smem:$0x3FB6];
	_ =	sdelay $0x3  }
0x37: {  	[smem:$0x3FB6] =	sst s10  }
0x38: {  	s10 =	sld [smem:$0x3FB7]  }
0x39: {  	_ = 	snop;
	(pc) =	sbr.ind lr, $3  }
0x3a: {  	_ = 	snop  }
0x3b: {  	_ = 	snop  }
0x3c: {  	p2 =	seq.s32 s10, $0x1;
	s10 =	sld [smem:$0x3FB6]  }
0x3d: {  	_ =	shalt  }
0x3e: {  	_ =	shalt  }
0x3f: {  	_ =	shalt  }
0x40: {  	_ =	shalt  }
0x41: {  	_ =	shalt  }
0x42: {  	_ =	shalt  }
0x43: {  	_ =	shalt  }
0x44: {  	_ =	shalt  }
0x45: {  	_ =	shalt  }
0x46: {  	_ =	shalt  }
0x47: {  	_ =	shalt  }
0x48: {  	_ =	shalt  }
0x49: {  	_ =	shalt  }
0x4a: {  	_ =	shalt  }
0x4b: {  	_ =	shalt  }
0x4c: {  	_ =	shalt  }
0x4d: {  	_ =	shalt  }
0x4e: {  	_ =	shalt  }
0x4f: {  	_ =	shalt  }
0x50: {  	_ =	shalt  }
0x51: {  	_ =	shalt  }
0x52: {  	_ =	shalt  }
0x53: {  	_ =	shalt  }
0x54: {  	_ =	shalt  }
0x55: {  	_ =	shalt  }
0x56: {  	_ =	shalt  }
0x57: {  	_ =	shalt  }
0x58: {  	_ =	shalt  }
0x59: {  	_ =	shalt  }
0x5a: {  	_ =	shalt  }
0x5b: {  	_ =	shalt  }
0x5c: {  	_ =	shalt  }
0x5d: {  	_ =	shalt  }
0x5e: {  	_ =	shalt  }
0x5f: {  	_ =	shalt  }
0x60: {  	_ =	shalt  }
0x61: {  	_ =	shalt  }
0x62: {  	_ =	shalt  }
0x63: {  	_ =	shalt  }
0x64: {  	_ =	shalt  }
0x65: {  	_ =	shalt  }
0x66: {  	_ =	shalt  }
0x67: {  	_ =	shalt  }
0x68: {  	_ =	shalt  }
0x69: {  	_ =	shalt  }
0x6a: {  	_ =	shalt  }
0x6b: {  	_ =	shalt  }
0x6c: {  	_ =	shalt  }
0x6d: {  	_ =	shalt  }
0x6e: {  	_ =	shalt  }
0x6f: {  	_ =	shalt  }
0x70: {  	_ =	shalt  }
0x71: {  	_ =	shalt  }
0x72: {  	_ =	shalt  }
0x73: {  	_ =	shalt  }
0x74: {  	_ =	shalt  }
0x75: {  	_ =	shalt  }
0x76: {  	_ =	shalt  }
0x77: {  	_ =	shalt  }
0x78: {  	_ =	shalt  }
0x79: {  	_ =	shalt  }
0x7a: {  	_ =	shalt  }
0x7b: {  	_ =	shalt  }
0x7c: {  	_ =	shalt  }
0x7d: {  	_ =	shalt  }
0x7e: {  	_ =	shalt  }
0x7f: {  	_ =	shalt  }
0x80: {  	_ =	shalt  }
0x81: {  	_ =	shalt  }
0x82: {  	_ =	shalt  }
0x83: {  	_ =	shalt  }
0x84: {  	_ =	shalt  }
0x85: {  	_ =	shalt  }
0x86: {  	_ =	shalt  }
0x87: {  	_ =	shalt  }
.Lfunc_end0:
.L_simem_size_0:
called_computation_lowered:
.L_overlay_start_0:
0x88: {  	s2 =	sld [smem:$0x3FD9]  }
0x89: {  	s3 =	sld [smem:$0x3FFE];
	_ =	sdelay $0x1  }
0x8a: {  	s1 =	srdreg.scid  }
0x8b: {  	s0 =	sand.u32 $0x1, s1  }
0x8c: {  	s17 =	sshll.u32 s0, $0xA;
	s2 =	sadd.s32 s3, s2  }
0x8d: {  	s2 =	sadd.s32 s2, s17  }
0x8e: {  	[smem:$0x3FC2] =	sst s2  }
0x8f: {  	_ = 	snop  }
0x90: {  	s2 =	sld [smem:$0x3FC9]  }
0x91: {  	s18 =	sld [smem:$0x3FC8];
	(tm) =	ssettm $0x1  }
0x92: {  	s4 =	sld [smem:$0x3FFB];
	_ =	sdelay $0x3  }
0x93: {  	_ =	strace s4  }
0x94: {  	s4 =	sld [smem:$0x3FFC];
	_ =	sdelay $0x3  }
0x95: {  	_ =	strace s4  }
0x96: {  	s4 =	sld [smem:$0x3FFD];
	_ =	sdelay $0x3  }
0x97: {  	_ =	strace s4  }
0x98: {  	_ =	strace $0x8FFFFFFF  }
0x99: {  	s19 =	sld [smem:$0x3FDB];
	_ =	sdelay $0x1  }
0x9a: {  	s5 =	simm.s32 $_scs_section_size  }
0x9b: {  	s6 =	simm.s32 $_size__tile_overlayer_lowered;
	s7 =	simm.s32 $_tile_overlayer_lowered  }
0x9c: {  	s22 =	simm.s32 $0x1BFF;
	s21 =	sshll.u32 s7, $0x1;
	s4 =	sadd.s32 s5, s19  }
0x9d: {  	s8 =	simm.s32 $0x0;
	s20 =	sshll.u32 s6, $0x1;
	s6 =	sadd.s32 s21, s4  }
0x9e: {  	[timem:s8], [sflag:s22] =	dma.local [hbm:s6], s20  }
0x9f: {  	_ =	swait.ge [sflag:s22], s20  }
0xa0: {  	s5 =	ssub.s32 $0x0, s20;
	[sflag:s22] =	ssyncset.done $0x0  }
0xa1: {  	[sflag:s22] =	ssyncadd.s32 s5;
	_ =	sdelay $0x1  }
0xa2: {  	s23 =	simm.s32 $0x1B8B  }
0xa3: {  	_ =	swait.ge [sflag:s23], $0x1  }
0xa4: {  	[sflag:s23] =	ssyncset.done $0x0  }
0xa5: {  	s25 =	simm.s32 $0x1B8E;
	s24 =	sld [smem:$0x3FFE];
	[sflag:s23] =	ssyncadd.s32 $0xFFFFFFFF  }
0xa6: {  	s26 =	simm.s32 $execute0_lowered;
	[smem:$0x3FD2] =	sst s25  }
0xa7: {  	s6 =	sshll.u32 s26, $0x1;
	_ =	strace $0x80000046;
	[dreg:$0x1] =	wrdreg $0xFFFFFFFF  }
0xa8: {  	s28 =	simm.s32 $_size_execute0_lowered;
	s4 =	sadd.s32 s4, s6;
	[dreg:$0x0] =	wrdreg $0x0  }
0xa9: {  	s6 =	sshll.u32 s28, $0x1;
	[dreg:$0x2] =	wrdreg s4  }
0xaa: {  	[dreg:$0x3] =	wrdreg s6  }
0xab: {  	[dreg:$0x4] =	wrdreg $0xC0  }
0xac: {  	_ =	task [dreg:s8], $0x5FFFF  }
0xad: {  	[dreg:$0x1] =	wrdreg $0xFFFFFFFF  }
0xae: {  	[dreg:$0x0] =	wrdreg $0x60  }
0xaf: {  	[dreg:$0x2] =	wrdreg s2  }
0xb0: {  	[dreg:$0x3] =	wrdreg s18  }
0xb1: {  	[dreg:$0x4] =	wrdreg s24  }
0xb2: {  	[dreg:$0x5] =	wrdreg $0x91800  }
0xb3: {  	[dreg:$0x6] =	wrdreg $0x9  }
0xb4: {  	_ =	task.clear_ibuf [dreg:s8], $0x7FFFF;
	_ =	strace $0x90000046  }
0xb5: {  	s29 =	simm.s32 $0x9;
	_ =	strace $0x80000048  }
0xb6: {  	_ =	swait.ge [sflag:s29], $0x1  }
0xb7: {  	[sflag:s29] =	ssyncadd.s32 $0xFFFFFFFF  }
0xb8: {  	_ =	strace $0x90000048  }
0xb9: {  	_ =	sfence  }
0xba: {  	s30 =	sld [smem:$0x0];
	_ =	sdelay $0x2  }
0xbb: {  	s31 =	sshll.u32 s1, $0xD;
	s1 =	sshrl.u32 s1, $0x2  }
0xbc: {  	s3 =	sand.u32 $0x4000, s31;
	s1 =	sadd.s32 s1, s30  }
0xbd: {  	s0 =	sor.u32 s3, s0;
	s1 =	sshll.u32 s1, $0x11  }
0xbe: {  	s0 =	sor.u32 s1, s0  }
0xbf: {  	s0 =	sadd.s32 $0x8F2B, s0  }
0xc0: {  	[sflag:s0] =	ssyncadd.remote.s32 $0x1  }
0xc1: {  	_ =	sfence.sel $0xFFFF  }
0xc2: {  	[dreg:$0x0] =	wrdreg $0xFFFFFFFF;
	(pc) =	sbr.abs _section_cstart, $3  }
0xc3: {  	[dreg:$0x1] =	wrdreg $0xFFFFFFFF  }
0xc4: {  	_ =	task.clear_ibuf [dreg:s8], $0x2FFFF;
	_ =	strace $0x9FFFFFFF  }
0xc5: {  	(tm) =	ssettm $0x7FFFFFFF  }
tec
execute0_lowered:
.L_overlay_start_1:
0x0: {  	(tag) =	ssettag $0x1  }
0x1: {  	s0 =	rddreg [dreg:$0x0]  }
0x2: {  	s2 =	rddreg [dreg:$0x1]  }
0x3: {  	s4 =	rddreg [dreg:$0x2]  }
0x4: {  	s1 =	rddreg [dreg:$0x3];
	s5 =	srdreg.scid;
	s3 =	simm.s32 $0x0  }
0x5: {  	s9 =	stileid.u32;
	s28 =	simm.s32 $0x100;
	s29 =	simm.s32 $0x3  }
0x6: {  	s30 =	simm.s32 $0x80;
	s31 =	simm.s32 $0x4100;
	s5 =	sand.u32 $0x1, s5  }
0x7: {  	[smem:$0x7FF] =	sst s3;
	s7 =	sshll.u32 s9, $0x9;
	s6 =	sshll.u32 s5, $0x4  }
0x8: {  	_ =	strace $0x80000047;
	s7 =	sadd.s32 s7, s4;
	s18 =	ssub.s32 $0x2, s5  }
0x9: {  	s5 =	sshll.u32 s5, $0xD;
	s6 =	sor.u32 s9, s6;
	s8 =	sshrl.u32 s18, $0x1  }
0xa: {  	s9 =	sshll.u32 s9, $0xC;
	s5 =	sadd.s32 s5, s7;
	s13 =	sshll.u32 s6, $0x7  }
0xb: {  	s26 =	ssub.s32 s18, s8;
	s4 =	sadd.s32 s9, s1;
	p0 =	sne.s32 s6, $0x1F  }
0xc: {  	s10 =	sadd.s32 $0xF680, s13;
	s21 =	sadd.s32 $0x10680, s13;
	s24 =	sadd.s32 $0x17680, s13  }
0xd: {  	s18 =	sadd.s32 $0x11680, s13;
	s26 =	smax.u32 s26, $0x1;
	s19 =	sshrl.u32 s10, $0x3  }
0xe: {  	s20 =	sshll.u32 s10, $0x4;
	s22 =	sshrl.u32 s21, $0x3;
	s9 =	sshll.u32 s21, $0x4  }
0xf: {  	s25 =	sshrl.u32 s24, $0x3;
	s16 =	sshrl.u32 s18, $0x3;
	s21 =	sadd.s32 $0x14680, s13  }
0x10: {  	s18 =	sshll.u32 s18, $0x4;
	s8 =	sadd.s32 s2, s19;
	s23 =	sadd.s32 s0, s9  }
0x11: {  	s9 =	sshll.u32 s24, $0x4;
	s19 =	sadd.s32 $0x12680, s13;
	s10 =	sadd.s32 s2, s16  }
0x12: {  	s14 =	sshrl.u32 s21, $0x3;
	s16 =	sadd.s32 $0x30D0, s2;
	s18 =	sadd.s32 s0, s18  }
0x13: {  	s21 =	sshll.u32 s21, $0x4;
	[dreg:$0x5] =	wrdreg s8;
	s8 =	sadd.s32 s0, s20  }
0x14: {  	[dreg:$0x8] =	wrdreg s23;
	s20 =	sadd.s32 $0x13680, s13;
	s11 =	sshrl.u32 s19, $0x3  }
0x15: {  	s23 =	sadd.s32 $0x16680, s13;
	s19 =	sshll.u32 s19, $0x4;
	s21 =	sadd.s32 s0, s21  }
0x16: {  	[dreg:$0x6] =	wrdreg s8;
	s8 =	sadd.s32 s2, s22;
	s12 =	sshrl.u32 s20, $0x3  }
0x17: {  	s11 =	sadd.s32 s2, s11;
	s22 =	sadd.s32 $0x15680, s13;
	s15 =	sshrl.u32 s23, $0x3  }
0x18: {  	s13 =	sadd.s32 s2, s14;
	s20 =	sshll.u32 s20, $0x4;
	s19 =	sadd.s32 s0, s19  }
0x19: {  	[dreg:$0x7] =	wrdreg s8;
	s8 =	sadd.s32 s2, s25;
	s12 =	sadd.s32 s2, s12  }
0x1a: {  	s17 =	sshrl.u32 s22, $0x3;
	s15 =	sadd.s32 s2, s15;
	s20 =	sadd.s32 s0, s20  }
0x1b: {  	s24 =	sshll.u32 s22, $0x4;
	s25 =	sshll.u32 s23, $0x4;
	[dreg:$0x9] =	wrdreg s8  }
0x1c: {  	s14 =	sadd.s32 s2, s17;
	s17 =	sadd.s32 s0, s9;
	s22 =	sadd.s32 s0, s24  }
0x1d: {  	s23 =	sadd.s32 s0, s25;
	s24 =	sadd.s32 $0x186800, s0;
	s25 =	sadd.s32 $0x1000, s5  }
0x1e: {  	v0 =	vimm.f32 $0.0e+00;
	s0 =	simm.s32 $0x1;
	s2 =	simm.s32 $0x2;
	s5 =	simm.s32 $0x0  }
.LBB2_1:
0x1f: {  	s6 =	simm.s32 $0x0;
	s7 =	simm.s32 $0x200  }
.LBB2_2:
0x20: {  	p1 =	sne.s32 s7, $0x3E00;
	[tilespmem:s6+$0x170] =	vst v0  }
0x21: {  	[tilespmem:s6+$0x100] =	vst v0  }
0x22: {  	[tilespmem:s6+$0x110] =	vst v0  }
.Ltmp0:
0x23: {  	[tilespmem:s6+$0x120] =	vst v0;
	(pc) =	sbr.rel @p1 .LBB2_2-.Ltmp0, $4  }
0x24: {  	[tilespmem:s6+$0x130] =	vst v0  }
0x25: {  	[tilespmem:s6+$0x140] =	vst v0  }
0x26: {  	[tilespmem:s6+$0x150] =	vst v0  }
0x27: {  	[tilespmem:s6+$0x160] =	vst v0;
	s6 =	sshra.s32 s7, $0x2;
	s7 =	sadd.s32 $0x200, s7  }
0x28: {  	[tilespmem:s6+$0x170] =	vst v0  }
0x29: {  	[tilespmem:s6+$0x100] =	vst v0  }
0x2a: {  	[tilespmem:s6+$0x110] =	vst v0  }
0x2b: {  	[tilespmem:s6+$0x120] =	vst v0  }
0x2c: {  	[tilespmem:s6+$0x130] =	vst v0  }
0x2d: {  	[tilespmem:s6+$0x140] =	vst v0  }
0x2e: {  	[tilespmem:s6+$0x150] =	vst v0  }
0x2f: {  	[tilespmem:s6+$0x160] =	vst v0  }
0x30: {  	[spmem:s4] =	stream.linear.scatter [tilespmem:s28], [sflag:$0x3], $0x1000, $0x38;
	[tilespmem:$0xA180] =	vst v63  }
0x31: {  	_ =	swait.ge [sflag:s29], $0x1000  }
0x32: {  	[sflag:s29] =	ssyncset.done $0x0  }
0x33: {  	[sflag:s29] =	ssyncadd.s32 $0xFFFFF000  }
0x34: {  	[bflag:$0x0] =	sbarrier.arrive $0xFFFF  }
0x35: {  	s9 =	rddreg [dreg:$0x5]  }
0x36: {  	[tilespmem:s3], [sflag:$0x1] =	stream.linear.gather [hbm4b:s9+s3], $0x80, $0x38;
	[tilespmem:$0xA180] =	vst v63  }
0x37: {  	s7 =	rddreg [dreg:$0x6]  }
0x38: {  	[tilespmem:s28], [sflag:$0x1] =	stream.linear.gather [hbm4b:s7+s3], $0x4000, $0x38;
	[tilespmem:$0xA180] =	vst v63  }
0x39: {  	s8 =	rddreg [dreg:$0x7]  }
0x3a: {  	[tilespmem:s30], [sflag:$0x2] =	stream.linear.gather [hbm4b:s8+s3], $0x80, $0x38;
	[tilespmem:$0xA180] =	vst v63  }
0x3b: {  	s9 =	rddreg [dreg:$0x8]  }
0x3c: {  	[tilespmem:s31], [sflag:$0x2] =	stream.linear.gather [hbm4b:s9+s3], $0x4000, $0x38;
	[tilespmem:$0xA180] =	vst v63  }
0x3d: {  	_ =	swait.ge [sflag:s0], $0x80  }
0x3e: {  	[sflag:s0] =	ssyncset.done $0x0  }
0x3f: {  	[sflag:s0] =	ssyncadd.s32 $0xFFFFFF80  }
0x40: {  	_ =	swait.ge [sflag:s0], $0x4000  }
0x41: {  	[sflag:s0] =	ssyncset.done $0x0  }
0x42: {  	[sflag:s0] =	ssyncadd.s32 $0xFFFFC000  }
0x43: {  	[spmem:s1] =	stream.indirect.scatter.add.f32 [tilespmem:s28], [sflag:$0x3], $0x80, s3, s30, $0xb8;
	[tilespmem:$0xA180] =	vst v63  }
0x44: {  	_ =	swait.ge [sflag:s29], $0x4000  }
0x45: {  	[sflag:s29] =	ssyncset.done $0x0  }
0x46: {  	[sflag:s29] =	ssyncadd.s32 $0xFFFFC000  }
0x47: {  	[tilespmem:s3], [sflag:$0x1] =	stream.linear.gather [hbm4b:s10+s3], $0x80, $0x38;
	[tilespmem:$0xA180] =	vst v63  }
0x48: {  	_ = 	snop  }
0x49: {  	[tilespmem:s28], [sflag:$0x1] =	stream.linear.gather [hbm4b:s18+s3], $0x4000, $0x38;
	[tilespmem:$0xA180] =	vst v63  }
0x4a: {  	_ =	swait.ge [sflag:s2], $0x80  }
0x4b: {  	[sflag:s2] =	ssyncset.done $0x0  }
0x4c: {  	[sflag:s2] =	ssyncadd.s32 $0xFFFFFF80  }
0x4d: {  	_ =	swait.ge [sflag:s2], $0x4000  }
0x4e: {  	[sflag:s2] =	ssyncset.done $0x0  }
0x4f: {  	[sflag:s2] =	ssyncadd.s32 $0xFFFFC000  }
0x50: {  	[spmem:s1] =	stream.indirect.scatter.add.f32 [tilespmem:s31], [sflag:$0x3], $0x80, s30, s30, $0xb8;
	[tilespmem:$0xA180] =	vst v63  }
0x51: {  	_ =	swait.ge [sflag:s29], $0x4000  }
0x52: {  	[sflag:s29] =	ssyncset.done $0x0  }
0x53: {  	[sflag:s29] =	ssyncadd.s32 $0xFFFFC000  }
0x54: {  	[tilespmem:s30], [sflag:$0x2] =	stream.linear.gather [hbm4b:s11+s3], $0x80, $0x38;
	[tilespmem:$0xA180] =	vst v63  }
0x55: {  	_ = 	snop  }
0x56: {  	[tilespmem:s31], [sflag:$0x2] =	stream.linear.gather [hbm4b:s19+s3], $0x4000, $0x38;
	[tilespmem:$0xA180] =	vst v63  }
0x57: {  	_ =	swait.ge [sflag:s0], $0x80  }
0x58: {  	[sflag:s0] =	ssyncset.done $0x0  }
0x59: {  	[sflag:s0] =	ssyncadd.s32 $0xFFFFFF80  }
0x5a: {  	_ =	swait.ge [sflag:s0], $0x4000  }
0x5b: {  	[sflag:s0] =	ssyncset.done $0x0  }
0x5c: {  	[sflag:s0] =	ssyncadd.s32 $0xFFFFC000  }
0x5d: {  	[spmem:s1] =	stream.indirect.scatter.add.f32 [tilespmem:s28], [sflag:$0x3], $0x80, s3, s30, $0xb8;
	[tilespmem:$0xA180] =	vst v63  }
0x5e: {  	_ =	swait.ge [sflag:s29], $0x4000  }
0x5f: {  	[sflag:s29] =	ssyncset.done $0x0  }
0x60: {  	[sflag:s29] =	ssyncadd.s32 $0xFFFFC000  }
0x61: {  	[tilespmem:s3], [sflag:$0x1] =	stream.linear.gather [hbm4b:s12+s3], $0x80, $0x38;
	[tilespmem:$0xA180] =	vst v63  }
0x62: {  	_ = 	snop  }
0x63: {  	[tilespmem:s28], [sflag:$0x1] =	stream.linear.gather [hbm4b:s20+s3], $0x4000, $0x38;
	[tilespmem:$0xA180] =	vst v63  }
0x64: {  	_ =	swait.ge [sflag:s2], $0x80  }
0x65: {  	[sflag:s2] =	ssyncset.done $0x0  }
0x66: {  	[sflag:s2] =	ssyncadd.s32 $0xFFFFFF80  }
0x67: {  	_ =	swait.ge [sflag:s2], $0x4000  }
0x68: {  	[sflag:s2] =	ssyncset.done $0x0  }
0x69: {  	[sflag:s2] =	ssyncadd.s32 $0xFFFFC000  }
0x6a: {  	[spmem:s1] =	stream.indirect.scatter.add.f32 [tilespmem:s31], [sflag:$0x3], $0x80, s30, s30, $0xb8;
	[tilespmem:$0xA180] =	vst v63  }
0x6b: {  	_ =	swait.ge [sflag:s29], $0x4000  }
0x6c: {  	[sflag:s29] =	ssyncset.done $0x0  }
0x6d: {  	[sflag:s29] =	ssyncadd.s32 $0xFFFFC000  }
0x6e: {  	[tilespmem:s30], [sflag:$0x2] =	stream.linear.gather [hbm4b:s13+s3], $0x80, $0x38;
	[tilespmem:$0xA180] =	vst v63  }
0x6f: {  	_ = 	snop  }
0x70: {  	[tilespmem:s31], [sflag:$0x2] =	stream.linear.gather [hbm4b:s21+s3], $0x4000, $0x38;
	[tilespmem:$0xA180] =	vst v63  }
0x71: {  	_ =	swait.ge [sflag:s0], $0x80  }
0x72: {  	[sflag:s0] =	ssyncset.done $0x0  }
0x73: {  	[sflag:s0] =	ssyncadd.s32 $0xFFFFFF80  }
0x74: {  	_ =	swait.ge [sflag:s0], $0x4000  }
0x75: {  	[sflag:s0] =	ssyncset.done $0x0  }
0x76: {  	[sflag:s0] =	ssyncadd.s32 $0xFFFFC000  }
0x77: {  	[spmem:s1] =	stream.indirect.scatter.add.f32 [tilespmem:s28], [sflag:$0x3], $0x80, s3, s30, $0xb8;
	[tilespmem:$0xA180] =	vst v63  }
0x78: {  	_ =	swait.ge [sflag:s29], $0x4000  }
0x79: {  	[sflag:s29] =	ssyncset.done $0x0  }
0x7a: {  	[sflag:s29] =	ssyncadd.s32 $0xFFFFC000  }
0x7b: {  	[tilespmem:s3], [sflag:$0x1] =	stream.linear.gather [hbm4b:s14+s3], $0x80, $0x38;
	[tilespmem:$0xA180] =	vst v63  }
0x7c: {  	_ = 	snop  }
0x7d: {  	[tilespmem:s28], [sflag:$0x1] =	stream.linear.gather [hbm4b:s22+s3], $0x4000, $0x38;
	[tilespmem:$0xA180] =	vst v63  }
0x7e: {  	_ =	swait.ge [sflag:s2], $0x80  }
0x7f: {  	[sflag:s2] =	ssyncset.done $0x0  }
0x80: {  	[sflag:s2] =	ssyncadd.s32 $0xFFFFFF80  }
0x81: {  	_ =	swait.ge [sflag:s2], $0x4000  }
0x82: {  	[sflag:s2] =	ssyncset.done $0x0  }
0x83: {  	[sflag:s2] =	ssyncadd.s32 $0xFFFFC000  }
0x84: {  	[spmem:s1] =	stream.indirect.scatter.add.f32 [tilespmem:s31], [sflag:$0x3], $0x80, s30, s30, $0xb8;
	[tilespmem:$0xA180] =	vst v63  }
0x85: {  	_ =	swait.ge [sflag:s29], $0x4000  }
0x86: {  	[sflag:s29] =	ssyncset.done $0x0  }
0x87: {  	[sflag:s29] =	ssyncadd.s32 $0xFFFFC000  }
0x88: {  	[tilespmem:s30], [sflag:$0x2] =	stream.linear.gather [hbm4b:s15+s3], $0x80, $0x38;
	[tilespmem:$0xA180] =	vst v63  }
0x89: {  	_ = 	snop  }
0x8a: {  	[tilespmem:s31], [sflag:$0x2] =	stream.linear.gather [hbm4b:s23+s3], $0x4000, $0x38;
	[tilespmem:$0xA180] =	vst v63  }
0x8b: {  	_ =	swait.ge [sflag:s0], $0x80  }
0x8c: {  	[sflag:s0] =	ssyncset.done $0x0  }
0x8d: {  	[sflag:s0] =	ssyncadd.s32 $0xFFFFFF80  }
0x8e: {  	_ =	swait.ge [sflag:s0], $0x4000  }
0x8f: {  	[sflag:s0] =	ssyncset.done $0x0  }
0x90: {  	[sflag:s0] =	ssyncadd.s32 $0xFFFFC000  }
0x91: {  	[spmem:s1] =	stream.indirect.scatter.add.f32 [tilespmem:s28], [sflag:$0x3], $0x80, s3, s30, $0xb8;
	[tilespmem:$0xA180] =	vst v63  }
0x92: {  	_ =	swait.ge [sflag:s29], $0x4000  }
0x93: {  	[sflag:s29] =	ssyncset.done $0x0  }
0x94: {  	s7 =	rddreg [dreg:$0x9];
	[sflag:s29] =	ssyncadd.s32 $0xFFFFC000  }
0x95: {  	[tilespmem:s3], [sflag:$0x1] =	stream.linear.gather [hbm4b:s7+s3], $0x80, $0x38;
	[tilespmem:$0xA180] =	vst v63  }
0x96: {  	_ = 	snop  }
0x97: {  	[tilespmem:s28], [sflag:$0x1] =	stream.linear.gather [hbm4b:s17+s3], $0x4000, $0x38;
	[tilespmem:$0xA180] =	vst v63  }
0x98: {  	_ =	swait.ge [sflag:s2], $0x80  }
0x99: {  	[sflag:s2] =	ssyncset.done $0x0  }
0x9a: {  	[sflag:s2] =	ssyncadd.s32 $0xFFFFFF80  }
0x9b: {  	_ =	swait.ge [sflag:s2], $0x4000  }
0x9c: {  	[sflag:s2] =	ssyncset.done $0x0  }
0x9d: {  	[sflag:s2] =	ssyncadd.s32 $0xFFFFC000  }
0x9e: {  	[spmem:s1] =	stream.indirect.scatter.add.f32 [tilespmem:s31], [sflag:$0x3], $0x80, s30, s30, $0xb8;
	[tilespmem:$0xA180] =	vst v63  }
0x9f: {  	_ =	swait.ge [sflag:s29], $0x4000  }
0xa0: {  	[sflag:s29] =	ssyncset.done $0x0  }
0xa1: {  	[sflag:s29] =	ssyncadd.s32 $0xFFFFC000  }
0xa2: {  	_ =	swait.ge [sflag:s0], $0x80  }
0xa3: {  	[sflag:s0] =	ssyncset.done $0x0  }
0xa4: {  	[sflag:s0] =	ssyncadd.s32 $0xFFFFFF80  }
0xa5: {  	_ =	swait.ge [sflag:s0], $0x4000  }
0xa6: {  	[sflag:s0] =	ssyncset.done $0x0  }
0xa7: {  	[sflag:s0] =	ssyncadd.s32 $0xFFFFC000  }
0xa8: {  	[spmem:s1] =	stream.indirect.scatter.add.f32 [tilespmem:s28], [sflag:$0x3], $0x80, s3, s30, $0xb8;
	[tilespmem:$0xA180] =	vst v63  }
0xa9: {  	_ =	swait.ge [sflag:s29], $0x4000  }
0xaa: {  	s6 =	simm.s32 @!p0 $0x0;
	[sflag:s29] =	ssyncset.done $0x0  }
0xab: {  	s8 =	simm.s32 @!p0 $0x3;
	s7 =	simm.s32 @!p0 $0x8100;
	[sflag:s29] =	ssyncadd.s32 $0xFFFFC000  }
0xac: {  	[tilespmem:s7], [sflag:$0x3] =	stream.linear.gather @!p0 [hbm4b:s16+s6], $0x20, $0x38;
	[tilespmem:$0xA180] =	vst v63  }
0xad: {  	_ =	swait.ge @!p0 [sflag:s8], $0x20  }
0xae: {  	[sflag:s8] =	ssyncset.done @!p0 $0x0  }
0xaf: {  	s9 =	simm.s32 @!p0 $0x8180;
	[sflag:s8] =	ssyncadd.s32 @!p0 $0xFFFFFFE0  }
0xb0: {  	[tilespmem:s9], [sflag:$0x3] =	stream.linear.gather @!p0 [hbm4b:s24+s6], $0x1000, $0x38;
	[tilespmem:$0xA180] =	vst v63  }
0xb1: {  	_ =	swait.ge @!p0 [sflag:s8], $0x1000  }
0xb2: {  	[sflag:s8] =	ssyncset.done @!p0 $0x0  }
0xb3: {  	s6 =	simm.s32 @!p0 $0x20;
	[sflag:s8] =	ssyncadd.s32 @!p0 $0xFFFFF000  }
0xb4: {  	[spmem:s1] =	stream.indirect.scatter.add.f32 @!p0 [tilespmem:s9], [sflag:$0x3], $0x80, s7, s6, $0xb8;
	[tilespmem:$0xA180] =	vst v63  }
0xb5: {  	_ =	swait.ge @!p0 [sflag:s8], $0x1000  }
0xb6: {  	[sflag:s8] =	ssyncset.done @!p0 $0x0  }
0xb7: {  	s5 =	sadd.s32 $0x1, s5;
	[sflag:s8] =	ssyncadd.s32 @!p0 $0xFFFFF000;
	s8 =	stileid.u32  }
0xb8: {  	p1 =	sne.s32 s5, s26;
	s9 =	sshrl.u32 s4, $0x3;
	s6 =	sshll.u32 s8, $0x6  }
.Ltmp1:
0xb9: {  	[bflag:$0x0] =	sbarrier.arrive $0xFFFF;
	s6 =	sor.u32 $0x1C03, s6;
	(pc) =	sbr.rel @p1 .LBB2_1-.Ltmp1, $4  }
0xba: {  	[hbm:s25], [sflag:s6] =	dma.local [spmem:s9], $0x200  }
0xbb: {  	_ =	swait.ge [sflag:s29], $0x200  }
0xbc: {  	[sflag:s29] =	ssyncset.done $0x0  }
0xbd: {  	[sflag:s29] =	ssyncadd.s32 $0xFFFFFE00  }
0xbe: {  	_ =	sfence.sel $0x180000  }
0xbf: {  	[bflag:$0x0] =	sbarrier.arrive $0xFFFF  }
0xc0: {  	_ =	strace $0x90000047  }
0xc1: {  	s0 =	stileid.u32;
	[bflag:$0x2] =	sbarrier.arrive $0xFFFF  }
0xc2: {  	p0 =	sne.s32 s0, $0x0;
	s0 =	rddreg [dreg:$0x4]  }
0xc3: {  	s0 =	sadd.s32 @!p0 $0x100000, s0  }
0xc4: {  	[sflag:s0] =	ssyncadd.tile.s32 @!p0 $0x1;
	_ =	shalt  }
.Lfunc_end2:
_tile_overlayer_lowered:
.L_overlay_start_2:
0xc5: {  	(tag) =	ssettag $0x2  }
0xc6: {  	s0 =	rddreg [dreg:$0x0];
	s2 =	stileid.u32  }
0xc7: {  	s1 =	rddreg [dreg:$0x1];
	p0 =	sne.s32 s2, $0x0  }
0xc8: {  	s3 =	rddreg [dreg:$0x2];
	[bflag:$0x3] =	sbarrier.arrive $0xFFFF;
	s2 =	simm.s32 @!p0 $0x1C03  }
0xc9: {  	[timem:s3], [sflag:s2] =	dma.local @!p0 [hbm:s0], s1  }
0xca: {  	s0 =	simm.s32 @!p0 $0x3  }
0xcb: {  	_ =	swait.ge @!p0 [sflag:s0], s1  }
0xcc: {  	s1 =	ssub.s32 @!p0 $0x0, s1;
	[sflag:s0] =	ssyncset.done @!p0 $0x0  }
0xcd: {  	[sflag:s0] =	ssyncadd.s32 @!p0 s1  }
0xce: {  	[bflag:$0x3] =	sbarrier.arrive $0xFFFF  }
0xcf: {  	_ =	shalt  }

</sc_bundles>
